<compile_context>
chip_gen: v7x
topology: tpu7x:2x2x1
jax: 0.10.2.dev20260603
libtpu: 0.0.44.dev20260713+nightly
codegen_flags: <defaults>
</compile_context>

<pallas_src>
import functools

import jax
import jax.numpy as jnp
from jax import lax
from jax.experimental import pallas as pl
from jax.experimental.pallas import tpu as pltpu
from jax.experimental.pallas import tpu_sc as plsc

N = 10000
DIN = 128
DOUT = 128
E = 320000

NC = 2
NS = 16
NW = NC * NS
PER_W = E // NW
CHUNK = 80
NCHUNKS = PER_W // CHUNK
WB_ROWS = 624
WB_LAST = N - 15 * WB_ROWS
ZROWS = 40


def _fin_body(p0_ref, p1_ref, w_ref, b_ref, o_ref):
    o_ref[...] = jnp.dot(p0_ref[...] + p1_ref[...], w_ref[...],
                         preferred_element_type=jnp.float32) + b_ref[...]


def _edge_body(x_hbm, edge_hbm, dstf_hbm, out_hbm,
               src_v, dst0, dst1, dst2, rows0, rows1, rows2, acc,
               g0, g1, g2, d0, d1, d2, s0, s1, s2):
    cid = lax.axis_index("c")
    sid = lax.axis_index("s")
    wid = sid * NC + cid
    ROWS, DST = [rows0, rows1, rows2], [dst0, dst1, dst2]
    G, D, S = [g0, g1, g2], [d0, d1, d2], [s0, s1, s2]

    def issue(c, b):
        pltpu.async_copy(x_hbm.at[src_v.at[c]], ROWS[b], G[b])
        pltpu.async_copy(
            dstf_hbm.at[pl.ds(E + wid * PER_W + c * CHUNK, CHUNK)],
            DST[b], D[b])

    def wait_g(b):
        pltpu.make_async_copy(x_hbm.at[pl.ds(0, CHUNK)], ROWS[b],
                              G[b]).wait()
        pltpu.make_async_copy(dstf_hbm.at[pl.ds(0, CHUNK)], DST[b],
                              D[b]).wait()

    def issue_scatter(b):
        pltpu.async_copy(ROWS[b], acc.at[DST[b]], S[b], add=True)

    def wait_s(b):
        pltpu.make_async_copy(ROWS[b], acc.at[DST[b]], S[b]).wait()

    pltpu.sync_copy(edge_hbm.at[0, wid], src_v)
    issue(0, 0)
    issue(1, 1)

    def zrow(r, carry):
        for j in range(DIN // 16):
            rows2[r, pl.ds(j * 16, 16)] = jnp.zeros((16,), jnp.float32)
        return carry
    lax.fori_loop(0, ZROWS, zrow, 0)
    r0 = sid * WB_ROWS
    nfull = jnp.where(sid == NS - 1, WB_LAST // ZROWS, WB_ROWS // ZROWS)

    def zcopy(k, carry):
        pltpu.sync_copy(rows2.at[pl.ds(0, ZROWS)],
                        acc.at[pl.ds(r0 + k * ZROWS, ZROWS)])
        return carry
    lax.fori_loop(0, nfull, zcopy, 0)

    @pl.when(sid < NS - 1)
    def _ztail():
        pltpu.sync_copy(rows2.at[pl.ds(0, WB_ROWS % ZROWS)],
                        acc.at[pl.ds(r0 + (WB_ROWS // ZROWS) * ZROWS,
                                     WB_ROWS % ZROWS)])
    plsc.subcore_barrier()

    wait_g(0)
    issue_scatter(0)
    issue(2, 2)

    def triple(o, carry):
        c = 3 * o
        wait_g(1); issue_scatter(1); wait_s(0); issue(c + 3, 0)
        wait_g(2); issue_scatter(2); wait_s(1); issue(c + 4, 1)
        wait_g(0); issue_scatter(0); wait_s(2); issue(c + 5, 2)
        return carry
    lax.fori_loop(0, (NCHUNKS - 5) // 3, triple, 0)

    wait_g(1); issue_scatter(1); wait_s(0); issue(NCHUNKS - 2, 0)
    wait_g(2); issue_scatter(2); wait_s(1); issue(NCHUNKS - 1, 1)
    wait_g(0); issue_scatter(0); wait_s(2)
    wait_g(1); issue_scatter(1); wait_s(0)
    wait_s(1)
    plsc.subcore_barrier()

    nwb = jnp.where(sid == NS - 1, WB_LAST, WB_ROWS)
    pltpu.sync_copy(acc.at[pl.ds(r0, nwb)],
                    out_hbm.at[pl.ds(cid * N + r0, nwb)])


@jax.jit
def _gcn(x, edge_index, W, b):
    edge4 = edge_index.reshape(2, NW, NCHUNKS, CHUNK)
    edge_flat = edge_index.reshape(2 * E)

    edge_kernel = pl.kernel(
        _edge_body,
        out_type=jax.ShapeDtypeStruct((2 * N, DIN), jnp.float32),
        mesh=plsc.VectorSubcoreMesh(core_axis_name="c", subcore_axis_name="s"),
        scratch_types=[
            pltpu.VMEM((NCHUNKS, CHUNK), jnp.int32),
            pltpu.VMEM((CHUNK,), jnp.int32),
            pltpu.VMEM((CHUNK,), jnp.int32),
            pltpu.VMEM((CHUNK,), jnp.int32),
            pltpu.VMEM((CHUNK, DIN), jnp.float32),
            pltpu.VMEM((CHUNK, DIN), jnp.float32),
            pltpu.VMEM((CHUNK, DIN), jnp.float32),
            pltpu.VMEM_SHARED((N, DIN), jnp.float32),
        ] + [pltpu.SemaphoreType.DMA] * 9,
    )
    partials = edge_kernel(x, edge4, edge_flat)

    out = pl.pallas_call(
        _fin_body,
        grid=(10,),
        in_specs=[pl.BlockSpec((N // 10, DIN), lambda i: (i, 0)),
                  pl.BlockSpec((N // 10, DIN), lambda i: (i + 10, 0)),
                  pl.BlockSpec((DIN, DOUT), lambda i: (0, 0)),
                  pl.BlockSpec((1, DOUT), lambda i: (0, 0))],
        out_specs=pl.BlockSpec((N // 10, DOUT), lambda i: (i, 0)),
        out_shape=jax.ShapeDtypeStruct((N, DOUT), jnp.float32),
    )(partials, partials, W, b.reshape(1, DOUT))
    return out


def kernel(x, edge_index, edge_attr, return_attention_weights, W, b):
    out = _gcn(x, edge_index, W, b)
    return (out, (None, None))

# --- scband reference (transcript-rebuilt; emitter-appended) ---
"""Pipeline reference for scband-gcnconv-base-38019050504324 (READ-ONLY COPY).

The authoritative reference and input builder live on the scoring server;
editing this copy changes nothing except your own understanding.
"""

import jax, jax.numpy as jnp
import numpy as np

N = 10000
E = 320000
DIN = 128
DOUT = 128
D_EDGE = 4


def setup_inputs(seed: int = 0) -> dict:
    key = jax.random.key(seed)
    k1, k2, k3, k4 = jax.random.split(key, 4)
    x = jax.random.normal(k1, (N, DIN), dtype=jnp.float32)
    edge_index = jax.random.randint(k2, (2, E), 0, N, dtype=jnp.int32)
    edge_attr = jax.random.normal(k3, (E, D_EDGE), dtype=jnp.float32)
    # learned params of GCNConv(dim_in, dim_out, add_self_loops=False, normalize=False, bias=True)
    W = jax.random.normal(k4, (DIN, DOUT), dtype=jnp.float32) / np.sqrt(DIN)
    b = jnp.zeros((DOUT,), dtype=jnp.float32)
    return {
        "x": x,
        "edge_index": edge_index,
        "edge_attr": edge_attr,
        "return_attention_weights": 0,
        "W": W,
        "b": b,
    }


def reference(x, edge_index, edge_attr, return_attention_weights, W, b):
    # GCNConv with add_self_loops=False, normalize=False, bias=True:
    #   out = scatter_add_{dst}( (x @ W)[src] ) + b
    # edge_attr and return_attention_weights are ignored by the module's forward.
    xw = x @ W
    src = edge_index[0]
    dst = edge_index[1]
    msgs = jnp.take(xw, src, axis=0)
    out = jax.ops.segment_sum(msgs, dst, num_segments=N) + b
    return (out, (None, None))

if __name__ == "__main__":
    import jax
    _d = setup_inputs()
    print(jax.jit(kernel)(*tuple(_d.values())))

</pallas_src>

<mosaic_0001>
#map = affine_map<(d0, d1) -> (0, 0)>
#map1 = affine_map<(d0, d1) -> (0, 0, 0, 0)>
#map2 = affine_map<(d0, d1) -> (0)>
module attributes {stable_mosaic.version = 14 : i64} {
  func.func @_edge_body(%arg0: i32, %arg1: i32, %arg2: memref<10000x128xf32, #tpu.memory_space<hbm>>, %arg3: memref<2x32x125x80xi32, #tpu.memory_space<hbm>>, %arg4: memref<640000xi32, #tpu.memory_space<hbm>>, %arg5: memref<20000x128xf32, #tpu.memory_space<hbm>>, %arg6: memref<125x80xi32, #tpu.memory_space<vmem>>, %arg7: memref<80xi32, #tpu.memory_space<vmem>>, %arg8: memref<80xi32, #tpu.memory_space<vmem>>, %arg9: memref<80xi32, #tpu.memory_space<vmem>>, %arg10: memref<80x128xf32, #tpu.memory_space<vmem>>, %arg11: memref<80x128xf32, #tpu.memory_space<vmem>>, %arg12: memref<80x128xf32, #tpu.memory_space<vmem>>, %arg13: memref<10000x128xf32, #tpu.memory_space<vmem_shared>>, %arg14: memref<!tpu.dma_semaphore, #tpu.memory_space<semaphore_mem>>, %arg15: memref<!tpu.dma_semaphore, #tpu.memory_space<semaphore_mem>>, %arg16: memref<!tpu.dma_semaphore, #tpu.memory_space<semaphore_mem>>, %arg17: memref<!tpu.dma_semaphore, #tpu.memory_space<semaphore_mem>>, %arg18: memref<!tpu.dma_semaphore, #tpu.memory_space<semaphore_mem>>, %arg19: memref<!tpu.dma_semaphore, #tpu.memory_space<semaphore_mem>>, %arg20: memref<!tpu.dma_semaphore, #tpu.memory_space<semaphore_mem>>, %arg21: memref<!tpu.dma_semaphore, #tpu.memory_space<semaphore_mem>>, %arg22: memref<!tpu.dma_semaphore, #tpu.memory_space<semaphore_mem>>) attributes {dimension_semantics = [#tpu.dimension_semantics<core_parallel>, #tpu.dimension_semantics<subcore_parallel>], iteration_bounds = array<i64: 2, 16>, scalar_prefetch = 0 : i64, scratch_operands = 17 : i64, tpu.core_type = #tpu.core_type<sc_vector_subcore>, window_params = [{transform_indices = #map}, {transform_indices = #map1}, {transform_indices = #map2}, {transform_indices = #map}]} {
    %mul3A = arith.constant 2 : i32
    %mul3A_0 = arith.muli %arg1, %mul3A : i32
    %add3A = arith.addi %mul3A_0, %arg0 : i32
    %run_scoped3A = arith.constant 0 : i32
    "tpu.region"() ({
      %run_scoped3A_189 = tpu.sem_alloc : memref<!tpu.dma_semaphore, #tpu.memory_space<semaphore_mem>>
      %dma_start3A_190 = arith.constant 0 : i32
      %dma_start3A_191 = arith.constant 0 : i32
      %dma_start3A_192 = tpu.memref_slice %arg3[%run_scoped3A, %add3A, %dma_start3A_190, %dma_start3A_191] : memref<2x32x125x80xi32, #tpu.memory_space<hbm>> -> memref<1x1x125x80xi32, #tpu.memory_space<hbm>>
      %dma_start3A_193 = tpu.memref_squeeze %dma_start3A_192 : memref<1x1x125x80xi32, #tpu.memory_space<hbm>> -> memref<125x80xi32, #tpu.memory_space<hbm>>
      %dma_start3A_194 = arith.constant 0 : i32
      %dma_start3A_195 = arith.constant 0 : i32
      %dma_start3A_196 = tpu.memref_slice %arg3[%run_scoped3A, %add3A, %dma_start3A_194, %dma_start3A_195] : memref<2x32x125x80xi32, #tpu.memory_space<hbm>> -> memref<1x1x125x80xi32, #tpu.memory_space<hbm>>
      %dma_start3A_197 = tpu.memref_squeeze %dma_start3A_196 : memref<1x1x125x80xi32, #tpu.memory_space<hbm>> -> memref<125x80xi32, #tpu.memory_space<hbm>>
      tpu.enqueue_dma source(%dma_start3A_197 : memref<125x80xi32, #tpu.memory_space<hbm>>) target(%arg6 : memref<125x80xi32, #tpu.memory_space<vmem>>) target_semaphore(%run_scoped3A_189 : memref<!tpu.dma_semaphore, #tpu.memory_space<semaphore_mem>>)
      %dma_wait3A_198 = arith.constant 0 : i32
      %dma_wait3A_199 = arith.constant 0 : i32
      %dma_wait3A_200 = tpu.memref_slice %arg3[%run_scoped3A, %add3A, %dma_wait3A_198, %dma_wait3A_199] : memref<2x32x125x80xi32, #tpu.memory_space<hbm>> -> memref<1x1x125x80xi32, #tpu.memory_space<hbm>>
      %dma_wait3A_201 = tpu.memref_squeeze %dma_wait3A_200 : memref<1x1x125x80xi32, #tpu.memory_space<hbm>> -> memref<125x80xi32, #tpu.memory_space<hbm>>
      %dma_wait3A_202 = arith.constant 0 : i32
      %dma_wait3A_203 = arith.constant 0 : i32
      %dma_wait3A_204 = tpu.memref_slice %arg3[%run_scoped3A, %add3A, %dma_wait3A_202, %dma_wait3A_203] : memref<2x32x125x80xi32, #tpu.memory_space<hbm>> -> memref<1x1x125x80xi32, #tpu.memory_space<hbm>>
      %dma_wait3A_205 = tpu.memref_squeeze %dma_wait3A_204 : memref<1x1x125x80xi32, #tpu.memory_space<hbm>> -> memref<125x80xi32, #tpu.memory_space<hbm>>
      tpu.wait_dma2 semaphore(%run_scoped3A_189 : memref<!tpu.dma_semaphore, #tpu.memory_space<semaphore_mem>>) src(%dma_wait3A_205 : memref<125x80xi32, #tpu.memory_space<hbm>>) dst(%arg6 : memref<125x80xi32, #tpu.memory_space<vmem>>)
      tpu.yield
    }) : () -> ()
    %dma_start3A = arith.constant 0 : i32
    %dma_start3A_1 = arith.constant 0 : i32
    %dma_start3A_2 = tpu.memref_slice %arg6[%dma_start3A, %dma_start3A_1] : memref<125x80xi32, #tpu.memory_space<vmem>> -> memref<1x80xi32, #tpu.memory_space<vmem>>
    %dma_start3A_3 = tpu.memref_squeeze %dma_start3A_2 : memref<1x80xi32, #tpu.memory_space<vmem>> -> memref<80xi32, #tpu.memory_space<vmem>>
    %dma_start3A_4 = arith.constant 0 : i32
    %dma_start3A_5 = arith.constant 0 : i32
    %dma_start3A_6 = tpu.memref_slice %arg2[%dma_start3A_4, %dma_start3A_5] : memref<10000x128xf32, #tpu.memory_space<hbm>> -> memref<10000x128xf32, #tpu.memory_space<hbm>>
    tpu.enqueue_indirect_dma source(%dma_start3A_6 : memref<10000x128xf32, #tpu.memory_space<hbm>>) target(%arg10 : memref<80x128xf32, #tpu.memory_space<vmem>>) offsets(%dma_start3A_3 : memref<80xi32, #tpu.memory_space<vmem>>) semaphore(%arg14 : memref<!tpu.dma_semaphore, #tpu.memory_space<semaphore_mem>>)
    %mul3A_7 = arith.constant 10000 : i32
    %mul3A_8 = arith.muli %add3A, %mul3A_7 : i32
    %add3A_9 = arith.constant 320000 : i32
    %add3A_10 = arith.addi %add3A_9, %mul3A_8 : i32
    %add3A_11 = arith.constant 0 : i32
    %add3A_12 = arith.addi %add3A_10, %add3A_11 : i32
    %dma_start3A_13 = tpu.memref_slice %arg4[%add3A_12] : memref<640000xi32, #tpu.memory_space<hbm>> -> memref<80xi32, #tpu.memory_space<hbm>>
    %dma_start3A_14 = tpu.memref_slice %arg4[%add3A_12] : memref<640000xi32, #tpu.memory_space<hbm>> -> memref<80xi32, #tpu.memory_space<hbm>>
    tpu.enqueue_dma source(%dma_start3A_14 : memref<80xi32, #tpu.memory_space<hbm>>) target(%arg7 : memref<80xi32, #tpu.memory_space<vmem>>) target_semaphore(%arg17 : memref<!tpu.dma_semaphore, #tpu.memory_space<semaphore_mem>>)
    %dma_start3A_15 = arith.constant 1 : i32
    %dma_start3A_16 = arith.constant 0 : i32
    %dma_start3A_17 = tpu.memref_slice %arg6[%dma_start3A_15, %dma_start3A_16] : memref<125x80xi32, #tpu.memory_space<vmem>> -> memref<1x80xi32, #tpu.memory_space<vmem>>
    %dma_start3A_18 = tpu.memref_squeeze %dma_start3A_17 : memref<1x80xi32, #tpu.memory_space<vmem>> -> memref<80xi32, #tpu.memory_space<vmem>>
    %dma_start3A_19 = arith.constant 0 : i32
    %dma_start3A_20 = arith.constant 0 : i32
    %dma_start3A_21 = tpu.memref_slice %arg2[%dma_start3A_19, %dma_start3A_20] : memref<10000x128xf32, #tpu.memory_space<hbm>> -> memref<10000x128xf32, #tpu.memory_space<hbm>>
    tpu.enqueue_indirect_dma source(%dma_start3A_21 : memref<10000x128xf32, #tpu.memory_space<hbm>>) target(%arg11 : memref<80x128xf32, #tpu.memory_space<vmem>>) offsets(%dma_start3A_18 : memref<80xi32, #tpu.memory_space<vmem>>) semaphore(%arg15 : memref<!tpu.dma_semaphore, #tpu.memory_space<semaphore_mem>>)
    %mul3A_22 = arith.constant 10000 : i32
    %mul3A_23 = arith.muli %add3A, %mul3A_22 : i32
    %add3A_24 = arith.constant 320000 : i32
    %add3A_25 = arith.addi %add3A_24, %mul3A_23 : i32
    %add3A_26 = arith.constant 80 : i32
    %add3A_27 = arith.addi %add3A_25, %add3A_26 : i32
    %dma_start3A_28 = tpu.memref_slice %arg4[%add3A_27] : memref<640000xi32, #tpu.memory_space<hbm>> -> memref<80xi32, #tpu.memory_space<hbm>>
    %dma_start3A_29 = tpu.memref_slice %arg4[%add3A_27] : memref<640000xi32, #tpu.memory_space<hbm>> -> memref<80xi32, #tpu.memory_space<hbm>>
    tpu.enqueue_dma source(%dma_start3A_29 : memref<80xi32, #tpu.memory_space<hbm>>) target(%arg8 : memref<80xi32, #tpu.memory_space<vmem>>) target_semaphore(%arg18 : memref<!tpu.dma_semaphore, #tpu.memory_space<semaphore_mem>>)
    %scan3A = arith.constant 0 : i32
    %scan3A_30 = arith.constant 0 : i32
    %scan3A_31 = arith.constant 40 : i32
    %scan3A_32 = arith.addi %scan3A_30, %scan3A_31 : i32
    %scan3A_33 = arith.constant 1 : i32
    scf.for %scan3A_189 = %scan3A_30 to %scan3A_32 step %scan3A_33  : i32 {
      %broadcast_in_dim3A = arith.constant 0.000000e+00 : f32
      %broadcast_in_dim3A_190 = vector.broadcast %broadcast_in_dim3A : f32 to vector<16xf32>
      %swap3A = arith.index_cast %scan3A_189 : i32 to index
      %swap3A_191 = arith.constant 0 : index
      %swap3A_192 = tpu.vector_load %arg12[%swap3A, %swap3A_191] {strides = array<i32>} : memref<80x128xf32, #tpu.memory_space<vmem>>, vector<1x16xf32>,
      %swap3A_193 = vector.shape_cast %swap3A_192 : vector<1x16xf32> to vector<16xf32>
      %swap3A_194 = vector.shape_cast %broadcast_in_dim3A_190 : vector<16xf32> to vector<1x16xf32>
      tpu.vector_store %arg12[%swap3A, %swap3A_191], %swap3A_194 {strides = array<i32>} : memref<80x128xf32, #tpu.memory_space<vmem>>, vector<1x16xf32>,
      %broadcast_in_dim3A_195 = arith.constant 0.000000e+00 : f32
      %broadcast_in_dim3A_196 = vector.broadcast %broadcast_in_dim3A_195 : f32 to vector<16xf32>
      %swap3A_197 = arith.index_cast %scan3A_189 : i32 to index
      %swap3A_198 = arith.constant 16 : index
      %swap3A_199 = tpu.vector_load %arg12[%swap3A_197, %swap3A_198] {strides = array<i32>} : memref<80x128xf32, #tpu.memory_space<vmem>>, vector<1x16xf32>,
      %swap3A_200 = vector.shape_cast %swap3A_199 : vector<1x16xf32> to vector<16xf32>
      %swap3A_201 = vector.shape_cast %broadcast_in_dim3A_196 : vector<16xf32> to vector<1x16xf32>
      tpu.vector_store %arg12[%swap3A_197, %swap3A_198], %swap3A_201 {strides = array<i32>} : memref<80x128xf32, #tpu.memory_space<vmem>>, vector<1x16xf32>,
      %broadcast_in_dim3A_202 = arith.constant 0.000000e+00 : f32
      %broadcast_in_dim3A_203 = vector.broadcast %broadcast_in_dim3A_202 : f32 to vector<16xf32>
      %swap3A_204 = arith.index_cast %scan3A_189 : i32 to index
      %swap3A_205 = arith.constant 32 : index
      %swap3A_206 = tpu.vector_load %arg12[%swap3A_204, %swap3A_205] {strides = array<i32>} : memref<80x128xf32, #tpu.memory_space<vmem>>, vector<1x16xf32>,
      %swap3A_207 = vector.shape_cast %swap3A_206 : vector<1x16xf32> to vector<16xf32>
      %swap3A_208 = vector.shape_cast %broadcast_in_dim3A_203 : vector<16xf32> to vector<1x16xf32>
      tpu.vector_store %arg12[%swap3A_204, %swap3A_205], %swap3A_208 {strides = array<i32>} : memref<80x128xf32, #tpu.memory_space<vmem>>, vector<1x16xf32>,
      %broadcast_in_dim3A_209 = arith.constant 0.000000e+00 : f32
      %broadcast_in_dim3A_210 = vector.broadcast %broadcast_in_dim3A_209 : f32 to vector<16xf32>
      %swap3A_211 = arith.index_cast %scan3A_189 : i32 to index
      %swap3A_212 = arith.constant 48 : index
      %swap3A_213 = tpu.vector_load %arg12[%swap3A_211, %swap3A_212] {strides = array<i32>} : memref<80x128xf32, #tpu.memory_space<vmem>>, vector<1x16xf32>,
      %swap3A_214 = vector.shape_cast %swap3A_213 : vector<1x16xf32> to vector<16xf32>
      %swap3A_215 = vector.shape_cast %broadcast_in_dim3A_210 : vector<16xf32> to vector<1x16xf32>
      tpu.vector_store %arg12[%swap3A_211, %swap3A_212], %swap3A_215 {strides = array<i32>} : memref<80x128xf32, #tpu.memory_space<vmem>>, vector<1x16xf32>,
      %broadcast_in_dim3A_216 = arith.constant 0.000000e+00 : f32
      %broadcast_in_dim3A_217 = vector.broadcast %broadcast_in_dim3A_216 : f32 to vector<16xf32>
      %swap3A_218 = arith.index_cast %scan3A_189 : i32 to index
      %swap3A_219 = arith.constant 64 : index
      %swap3A_220 = tpu.vector_load %arg12[%swap3A_218, %swap3A_219] {strides = array<i32>} : memref<80x128xf32, #tpu.memory_space<vmem>>, vector<1x16xf32>,
      %swap3A_221 = vector.shape_cast %swap3A_220 : vector<1x16xf32> to vector<16xf32>
      %swap3A_222 = vector.shape_cast %broadcast_in_dim3A_217 : vector<16xf32> to vector<1x16xf32>
      tpu.vector_store %arg12[%swap3A_218, %swap3A_219], %swap3A_222 {strides = array<i32>} : memref<80x128xf32, #tpu.memory_space<vmem>>, vector<1x16xf32>,
      %broadcast_in_dim3A_223 = arith.constant 0.000000e+00 : f32
      %broadcast_in_dim3A_224 = vector.broadcast %broadcast_in_dim3A_223 : f32 to vector<16xf32>
      %swap3A_225 = arith.index_cast %scan3A_189 : i32 to index
      %swap3A_226 = arith.constant 80 : index
      %swap3A_227 = tpu.vector_load %arg12[%swap3A_225, %swap3A_226] {strides = array<i32>} : memref<80x128xf32, #tpu.memory_space<vmem>>, vector<1x16xf32>,
      %swap3A_228 = vector.shape_cast %swap3A_227 : vector<1x16xf32> to vector<16xf32>
      %swap3A_229 = vector.shape_cast %broadcast_in_dim3A_224 : vector<16xf32> to vector<1x16xf32>
      tpu.vector_store %arg12[%swap3A_225, %swap3A_226], %swap3A_229 {strides = array<i32>} : memref<80x128xf32, #tpu.memory_space<vmem>>, vector<1x16xf32>,
      %broadcast_in_dim3A_230 = arith.constant 0.000000e+00 : f32
      %broadcast_in_dim3A_231 = vector.broadcast %broadcast_in_dim3A_230 : f32 to vector<16xf32>
      %swap3A_232 = arith.index_cast %scan3A_189 : i32 to index
      %swap3A_233 = arith.constant 96 : index
      %swap3A_234 = tpu.vector_load %arg12[%swap3A_232, %swap3A_233] {strides = array<i32>} : memref<80x128xf32, #tpu.memory_space<vmem>>, vector<1x16xf32>,
      %swap3A_235 = vector.shape_cast %swap3A_234 : vector<1x16xf32> to vector<16xf32>
      %swap3A_236 = vector.shape_cast %broadcast_in_dim3A_231 : vector<16xf32> to vector<1x16xf32>
      tpu.vector_store %arg12[%swap3A_232, %swap3A_233], %swap3A_236 {strides = array<i32>} : memref<80x128xf32, #tpu.memory_space<vmem>>, vector<1x16xf32>,
      %broadcast_in_dim3A_237 = arith.constant 0.000000e+00 : f32
      %broadcast_in_dim3A_238 = vector.broadcast %broadcast_in_dim3A_237 : f32 to vector<16xf32>
      %swap3A_239 = arith.index_cast %scan3A_189 : i32 to index
      %swap3A_240 = arith.constant 112 : index
      %swap3A_241 = tpu.vector_load %arg12[%swap3A_239, %swap3A_240] {strides = array<i32>} : memref<80x128xf32, #tpu.memory_space<vmem>>, vector<1x16xf32>,
      %swap3A_242 = vector.shape_cast %swap3A_241 : vector<1x16xf32> to vector<16xf32>
      %swap3A_243 = vector.shape_cast %broadcast_in_dim3A_238 : vector<16xf32> to vector<1x16xf32>
      tpu.vector_store %arg12[%swap3A_239, %swap3A_240], %swap3A_243 {strides = array<i32>} : memref<80x128xf32, #tpu.memory_space<vmem>>, vector<1x16xf32>,
    }
    %scan3A_34 = arith.constant 40 : i32
    %mul3A_35 = arith.constant 624 : i32
    %mul3A_36 = arith.muli %arg1, %mul3A_35 : i32
    %eq3A = arith.constant 15 : i32
    %eq3A_37 = arith.cmpi eq, %arg1, %eq3A : i32
    %jit3A = arith.constant 16 : i32
    %jit3A_38 = arith.constant 15 : i32
    %select_n3A = arith.select %eq3A_37, %jit3A, %jit3A_38 : i32
    %while3A = arith.constant 0 : i32
    %while3A_39 = arith.constant 0 : i32
    %while3A_40 = arith.subi %select_n3A, %while3A_39 : i32
    %while3A_41 = arith.addi %while3A_39, %while3A_40 : i32
    %while3A_42 = arith.constant 1 : i32
    %while3A_43 = arith.divsi %while3A_40, %while3A_42 : i32
    %while3A_44 = arith.muli %while3A_43, %while3A_42 : i32
    %while3A_45 = arith.addi %while3A_39, %while3A_44 : i32
    %while3A_46 = arith.constant 1 : i32
    scf.for %while3A_189 = %while3A_39 to %while3A_45 step %while3A_46  : i32 {
      %mul3A_190 = arith.constant 40 : i32
      %mul3A_191 = arith.muli %while3A_189, %mul3A_190 : i32
      %add3A_192 = arith.addi %mul3A_36, %mul3A_191 : i32
      "tpu.region"() ({
        %run_scoped3A_193 = tpu.sem_alloc : memref<!tpu.dma_semaphore, #tpu.memory_space<semaphore_mem>>
        %dma_start3A_194 = arith.constant 0 : i32
        %dma_start3A_195 = arith.constant 0 : i32
        %dma_start3A_196 = tpu.memref_slice %arg12[%dma_start3A_194, %dma_start3A_195] : memref<80x128xf32, #tpu.memory_space<vmem>> -> memref<40x128xf32, #tpu.memory_space<vmem>>
        %dma_start3A_197 = arith.constant 0 : i32
        %dma_start3A_198 = tpu.memref_slice %arg13[%add3A_192, %dma_start3A_197] : memref<10000x128xf32, #tpu.memory_space<vmem_shared>> -> memref<40x128xf32, #tpu.memory_space<vmem_shared>>
        %dma_start3A_199 = arith.constant 0 : i32
        %dma_start3A_200 = tpu.memref_slice %arg13[%add3A_192, %dma_start3A_199] : memref<10000x128xf32, #tpu.memory_space<vmem_shared>> -> memref<40x128xf32, #tpu.memory_space<vmem_shared>>
        %dma_start3A_201 = arith.constant 0 : i32
        %dma_start3A_202 = arith.constant 0 : i32
        %dma_start3A_203 = tpu.memref_slice %arg12[%dma_start3A_201, %dma_start3A_202] : memref<80x128xf32, #tpu.memory_space<vmem>> -> memref<40x128xf32, #tpu.memory_space<vmem>>
        tpu.enqueue_dma source(%dma_start3A_203 : memref<40x128xf32, #tpu.memory_space<vmem>>) target(%dma_start3A_200 : memref<40x128xf32, #tpu.memory_space<vmem_shared>>) target_semaphore(%run_scoped3A_193 : memref<!tpu.dma_semaphore, #tpu.memory_space<semaphore_mem>>)
        %dma_wait3A_204 = arith.constant 0 : i32
        %dma_wait3A_205 = arith.constant 0 : i32
        %dma_wait3A_206 = tpu.memref_slice %arg12[%dma_wait3A_204, %dma_wait3A_205] : memref<80x128xf32, #tpu.memory_space<vmem>> -> memref<40x128xf32, #tpu.memory_space<vmem>>
        %dma_wait3A_207 = arith.constant 0 : i32
        %dma_wait3A_208 = tpu.memref_slice %arg13[%add3A_192, %dma_wait3A_207] : memref<10000x128xf32, #tpu.memory_space<vmem_shared>> -> memref<40x128xf32, #tpu.memory_space<vmem_shared>>
        %dma_wait3A_209 = arith.constant 0 : i32
        %dma_wait3A_210 = tpu.memref_slice %arg13[%add3A_192, %dma_wait3A_209] : memref<10000x128xf32, #tpu.memory_space<vmem_shared>> -> memref<40x128xf32, #tpu.memory_space<vmem_shared>>
        %dma_wait3A_211 = arith.constant 0 : i32
        %dma_wait3A_212 = arith.constant 0 : i32
        %dma_wait3A_213 = tpu.memref_slice %arg12[%dma_wait3A_211, %dma_wait3A_212] : memref<80x128xf32, #tpu.memory_space<vmem>> -> memref<40x128xf32, #tpu.memory_space<vmem>>
        tpu.wait_dma2 semaphore(%run_scoped3A_193 : memref<!tpu.dma_semaphore, #tpu.memory_space<semaphore_mem>>) src(%dma_wait3A_213 : memref<40x128xf32, #tpu.memory_space<vmem>>) dst(%dma_wait3A_210 : memref<40x128xf32, #tpu.memory_space<vmem_shared>>)
        tpu.yield
      }) : () -> ()
    }
    %while3A_47 = arith.constant 1 : i32
    scf.for %while3A_189 = %while3A_45 to %while3A_41 step %while3A_47  : i32 {
      %mul3A_190 = arith.constant 40 : i32
      %mul3A_191 = arith.muli %while3A_189, %mul3A_190 : i32
      %add3A_192 = arith.addi %mul3A_36, %mul3A_191 : i32
      "tpu.region"() ({
        %run_scoped3A_193 = tpu.sem_alloc : memref<!tpu.dma_semaphore, #tpu.memory_space<semaphore_mem>>
        %dma_start3A_194 = arith.constant 0 : i32
        %dma_start3A_195 = arith.constant 0 : i32
        %dma_start3A_196 = tpu.memref_slice %arg12[%dma_start3A_194, %dma_start3A_195] : memref<80x128xf32, #tpu.memory_space<vmem>> -> memref<40x128xf32, #tpu.memory_space<vmem>>
        %dma_start3A_197 = arith.constant 0 : i32
        %dma_start3A_198 = tpu.memref_slice %arg13[%add3A_192, %dma_start3A_197] : memref<10000x128xf32, #tpu.memory_space<vmem_shared>> -> memref<40x128xf32, #tpu.memory_space<vmem_shared>>
        %dma_start3A_199 = arith.constant 0 : i32
        %dma_start3A_200 = tpu.memref_slice %arg13[%add3A_192, %dma_start3A_199] : memref<10000x128xf32, #tpu.memory_space<vmem_shared>> -> memref<40x128xf32, #tpu.memory_space<vmem_shared>>
        %dma_start3A_201 = arith.constant 0 : i32
        %dma_start3A_202 = arith.constant 0 : i32
        %dma_start3A_203 = tpu.memref_slice %arg12[%dma_start3A_201, %dma_start3A_202] : memref<80x128xf32, #tpu.memory_space<vmem>> -> memref<40x128xf32, #tpu.memory_space<vmem>>
        tpu.enqueue_dma source(%dma_start3A_203 : memref<40x128xf32, #tpu.memory_space<vmem>>) target(%dma_start3A_200 : memref<40x128xf32, #tpu.memory_space<vmem_shared>>) target_semaphore(%run_scoped3A_193 : memref<!tpu.dma_semaphore, #tpu.memory_space<semaphore_mem>>)
        %dma_wait3A_204 = arith.constant 0 : i32
        %dma_wait3A_205 = arith.constant 0 : i32
        %dma_wait3A_206 = tpu.memref_slice %arg12[%dma_wait3A_204, %dma_wait3A_205] : memref<80x128xf32, #tpu.memory_space<vmem>> -> memref<40x128xf32, #tpu.memory_space<vmem>>
        %dma_wait3A_207 = arith.constant 0 : i32
        %dma_wait3A_208 = tpu.memref_slice %arg13[%add3A_192, %dma_wait3A_207] : memref<10000x128xf32, #tpu.memory_space<vmem_shared>> -> memref<40x128xf32, #tpu.memory_space<vmem_shared>>
        %dma_wait3A_209 = arith.constant 0 : i32
        %dma_wait3A_210 = tpu.memref_slice %arg13[%add3A_192, %dma_wait3A_209] : memref<10000x128xf32, #tpu.memory_space<vmem_shared>> -> memref<40x128xf32, #tpu.memory_space<vmem_shared>>
        %dma_wait3A_211 = arith.constant 0 : i32
        %dma_wait3A_212 = arith.constant 0 : i32
        %dma_wait3A_213 = tpu.memref_slice %arg12[%dma_wait3A_211, %dma_wait3A_212] : memref<80x128xf32, #tpu.memory_space<vmem>> -> memref<40x128xf32, #tpu.memory_space<vmem>>
        tpu.wait_dma2 semaphore(%run_scoped3A_193 : memref<!tpu.dma_semaphore, #tpu.memory_space<semaphore_mem>>) src(%dma_wait3A_213 : memref<40x128xf32, #tpu.memory_space<vmem>>) dst(%dma_wait3A_210 : memref<40x128xf32, #tpu.memory_space<vmem_shared>>)
        tpu.yield
      }) : () -> ()
    }
    %lt3A = arith.constant 15 : i32
    %lt3A_48 = arith.cmpi slt, %arg1, %lt3A : i32
    %convert_element_type3A = arith.extui %lt3A_48 : i1 to i32
    %cond3A = arith.constant 0 : i32
    %cond3A_49 = arith.cmpi ne, %convert_element_type3A, %cond3A : i32
    scf.if %cond3A_49 {
      %add3A_189 = arith.constant 600 : i32
      %add3A_190 = arith.addi %mul3A_36, %add3A_189 : i32
      "tpu.region"() ({
        %run_scoped3A_191 = tpu.sem_alloc : memref<!tpu.dma_semaphore, #tpu.memory_space<semaphore_mem>>
        %dma_start3A_192 = arith.constant 0 : i32
        %dma_start3A_193 = arith.constant 0 : i32
        %dma_start3A_194 = tpu.memref_slice %arg12[%dma_start3A_192, %dma_start3A_193] : memref<80x128xf32, #tpu.memory_space<vmem>> -> memref<24x128xf32, #tpu.memory_space<vmem>>
        %dma_start3A_195 = arith.constant 0 : i32
        %dma_start3A_196 = tpu.memref_slice %arg13[%add3A_190, %dma_start3A_195] : memref<10000x128xf32, #tpu.memory_space<vmem_shared>> -> memref<24x128xf32, #tpu.memory_space<vmem_shared>>
        %dma_start3A_197 = arith.constant 0 : i32
        %dma_start3A_198 = tpu.memref_slice %arg13[%add3A_190, %dma_start3A_197] : memref<10000x128xf32, #tpu.memory_space<vmem_shared>> -> memref<24x128xf32, #tpu.memory_space<vmem_shared>>
        %dma_start3A_199 = arith.constant 0 : i32
        %dma_start3A_200 = arith.constant 0 : i32
        %dma_start3A_201 = tpu.memref_slice %arg12[%dma_start3A_199, %dma_start3A_200] : memref<80x128xf32, #tpu.memory_space<vmem>> -> memref<24x128xf32, #tpu.memory_space<vmem>>
        tpu.enqueue_dma source(%dma_start3A_201 : memref<24x128xf32, #tpu.memory_space<vmem>>) target(%dma_start3A_198 : memref<24x128xf32, #tpu.memory_space<vmem_shared>>) target_semaphore(%run_scoped3A_191 : memref<!tpu.dma_semaphore, #tpu.memory_space<semaphore_mem>>)
        %dma_wait3A_202 = arith.constant 0 : i32
        %dma_wait3A_203 = arith.constant 0 : i32
        %dma_wait3A_204 = tpu.memref_slice %arg12[%dma_wait3A_202, %dma_wait3A_203] : memref<80x128xf32, #tpu.memory_space<vmem>> -> memref<24x128xf32, #tpu.memory_space<vmem>>
        %dma_wait3A_205 = arith.constant 0 : i32
        %dma_wait3A_206 = tpu.memref_slice %arg13[%add3A_190, %dma_wait3A_205] : memref<10000x128xf32, #tpu.memory_space<vmem_shared>> -> memref<24x128xf32, #tpu.memory_space<vmem_shared>>
        %dma_wait3A_207 = arith.constant 0 : i32
        %dma_wait3A_208 = tpu.memref_slice %arg13[%add3A_190, %dma_wait3A_207] : memref<10000x128xf32, #tpu.memory_space<vmem_shared>> -> memref<24x128xf32, #tpu.memory_space<vmem_shared>>
        %dma_wait3A_209 = arith.constant 0 : i32
        %dma_wait3A_210 = arith.constant 0 : i32
        %dma_wait3A_211 = tpu.memref_slice %arg12[%dma_wait3A_209, %dma_wait3A_210] : memref<80x128xf32, #tpu.memory_space<vmem>> -> memref<24x128xf32, #tpu.memory_space<vmem>>
        tpu.wait_dma2 semaphore(%run_scoped3A_191 : memref<!tpu.dma_semaphore, #tpu.memory_space<semaphore_mem>>) src(%dma_wait3A_211 : memref<24x128xf32, #tpu.memory_space<vmem>>) dst(%dma_wait3A_208 : memref<24x128xf32, #tpu.memory_space<vmem_shared>>)
        tpu.yield
      }) : () -> ()
    } else {
    }
    %barrier3A = arith.constant 0 : index
    tpu.barrier barrier_id(%barrier3A)
    %dma_wait3A = arith.constant 0 : i32
    %dma_wait3A_50 = arith.constant 0 : i32
    %dma_wait3A_51 = tpu.memref_slice %arg2[%dma_wait3A, %dma_wait3A_50] : memref<10000x128xf32, #tpu.memory_space<hbm>> -> memref<80x128xf32, #tpu.memory_space<hbm>>
    %dma_wait3A_52 = arith.constant 0 : i32
    %dma_wait3A_53 = arith.constant 0 : i32
    %dma_wait3A_54 = tpu.memref_slice %arg2[%dma_wait3A_52, %dma_wait3A_53] : memref<10000x128xf32, #tpu.memory_space<hbm>> -> memref<80x128xf32, #tpu.memory_space<hbm>>
    tpu.wait_dma2 semaphore(%arg14 : memref<!tpu.dma_semaphore, #tpu.memory_space<semaphore_mem>>) src(%dma_wait3A_54 : memref<80x128xf32, #tpu.memory_space<hbm>>) dst(%arg10 : memref<80x128xf32, #tpu.memory_space<vmem>>)
    %dma_wait3A_55 = arith.constant 0 : i32
    %dma_wait3A_56 = tpu.memref_slice %arg4[%dma_wait3A_55] : memref<640000xi32, #tpu.memory_space<hbm>> -> memref<80xi32, #tpu.memory_space<hbm>>
    %dma_wait3A_57 = arith.constant 0 : i32
    %dma_wait3A_58 = tpu.memref_slice %arg4[%dma_wait3A_57] : memref<640000xi32, #tpu.memory_space<hbm>> -> memref<80xi32, #tpu.memory_space<hbm>>
    tpu.wait_dma2 semaphore(%arg17 : memref<!tpu.dma_semaphore, #tpu.memory_space<semaphore_mem>>) src(%dma_wait3A_58 : memref<80xi32, #tpu.memory_space<hbm>>) dst(%arg7 : memref<80xi32, #tpu.memory_space<vmem>>)
    %dma_start3A_59 = arith.constant 0 : i32
    %dma_start3A_60 = arith.constant 0 : i32
    %dma_start3A_61 = tpu.memref_slice %arg13[%dma_start3A_59, %dma_start3A_60] : memref<10000x128xf32, #tpu.memory_space<vmem_shared>> -> memref<10000x128xf32, #tpu.memory_space<vmem_shared>>
    tpu.enqueue_indirect_dma source(%arg10 : memref<80x128xf32, #tpu.memory_space<vmem>>) target(%dma_start3A_61 : memref<10000x128xf32, #tpu.memory_space<vmem_shared>>) offsets(%arg7 : memref<80xi32, #tpu.memory_space<vmem>>) semaphore(%arg20 : memref<!tpu.dma_semaphore, #tpu.memory_space<semaphore_mem>>) {add = true}
    %dma_start3A_62 = arith.constant 2 : i32
    %dma_start3A_63 = arith.constant 0 : i32
    %dma_start3A_64 = tpu.memref_slice %arg6[%dma_start3A_62, %dma_start3A_63] : memref<125x80xi32, #tpu.memory_space<vmem>> -> memref<1x80xi32, #tpu.memory_space<vmem>>
    %dma_start3A_65 = tpu.memref_squeeze %dma_start3A_64 : memref<1x80xi32, #tpu.memory_space<vmem>> -> memref<80xi32, #tpu.memory_space<vmem>>
    %dma_start3A_66 = arith.constant 0 : i32
    %dma_start3A_67 = arith.constant 0 : i32
    %dma_start3A_68 = tpu.memref_slice %arg2[%dma_start3A_66, %dma_start3A_67] : memref<10000x128xf32, #tpu.memory_space<hbm>> -> memref<10000x128xf32, #tpu.memory_space<hbm>>
    tpu.enqueue_indirect_dma source(%dma_start3A_68 : memref<10000x128xf32, #tpu.memory_space<hbm>>) target(%arg12 : memref<80x128xf32, #tpu.memory_space<vmem>>) offsets(%dma_start3A_65 : memref<80xi32, #tpu.memory_space<vmem>>) semaphore(%arg16 : memref<!tpu.dma_semaphore, #tpu.memory_space<semaphore_mem>>)
    %mul3A_69 = arith.constant 10000 : i32
    %mul3A_70 = arith.muli %add3A, %mul3A_69 : i32
    %add3A_71 = arith.constant 320000 : i32
    %add3A_72 = arith.addi %add3A_71, %mul3A_70 : i32
    %add3A_73 = arith.constant 160 : i32
    %add3A_74 = arith.addi %add3A_72, %add3A_73 : i32
    %dma_start3A_75 = tpu.memref_slice %arg4[%add3A_74] : memref<640000xi32, #tpu.memory_space<hbm>> -> memref<80xi32, #tpu.memory_space<hbm>>
    %dma_start3A_76 = tpu.memref_slice %arg4[%add3A_74] : memref<640000xi32, #tpu.memory_space<hbm>> -> memref<80xi32, #tpu.memory_space<hbm>>
    tpu.enqueue_dma source(%dma_start3A_76 : memref<80xi32, #tpu.memory_space<hbm>>) target(%arg9 : memref<80xi32, #tpu.memory_space<vmem>>) target_semaphore(%arg19 : memref<!tpu.dma_semaphore, #tpu.memory_space<semaphore_mem>>)
    %scan3A_77 = arith.constant 0 : i32
    %scan3A_78 = arith.constant 0 : i32
    %scan3A_79 = arith.constant 40 : i32
    %scan3A_80 = arith.addi %scan3A_78, %scan3A_79 : i32
    %scan3A_81 = arith.constant 1 : i32
    scf.for %scan3A_189 = %scan3A_78 to %scan3A_80 step %scan3A_81  : i32 {
      %mul3A_190 = arith.constant 3 : i32
      %mul3A_191 = arith.muli %mul3A_190, %scan3A_189 : i32
      %dma_wait3A_192 = arith.constant 0 : i32
      %dma_wait3A_193 = arith.constant 0 : i32
      %dma_wait3A_194 = tpu.memref_slice %arg2[%dma_wait3A_192, %dma_wait3A_193] : memref<10000x128xf32, #tpu.memory_space<hbm>> -> memref<80x128xf32, #tpu.memory_space<hbm>>
      %dma_wait3A_195 = arith.constant 0 : i32
      %dma_wait3A_196 = arith.constant 0 : i32
      %dma_wait3A_197 = tpu.memref_slice %arg2[%dma_wait3A_195, %dma_wait3A_196] : memref<10000x128xf32, #tpu.memory_space<hbm>> -> memref<80x128xf32, #tpu.memory_space<hbm>>
      tpu.wait_dma2 semaphore(%arg15 : memref<!tpu.dma_semaphore, #tpu.memory_space<semaphore_mem>>) src(%dma_wait3A_197 : memref<80x128xf32, #tpu.memory_space<hbm>>) dst(%arg11 : memref<80x128xf32, #tpu.memory_space<vmem>>)
      %dma_wait3A_198 = arith.constant 0 : i32
      %dma_wait3A_199 = tpu.memref_slice %arg4[%dma_wait3A_198] : memref<640000xi32, #tpu.memory_space<hbm>> -> memref<80xi32, #tpu.memory_space<hbm>>
      %dma_wait3A_200 = arith.constant 0 : i32
      %dma_wait3A_201 = tpu.memref_slice %arg4[%dma_wait3A_200] : memref<640000xi32, #tpu.memory_space<hbm>> -> memref<80xi32, #tpu.memory_space<hbm>>
      tpu.wait_dma2 semaphore(%arg18 : memref<!tpu.dma_semaphore, #tpu.memory_space<semaphore_mem>>) src(%dma_wait3A_201 : memref<80xi32, #tpu.memory_space<hbm>>) dst(%arg8 : memref<80xi32, #tpu.memory_space<vmem>>)
      %dma_start3A_202 = arith.constant 0 : i32
      %dma_start3A_203 = arith.constant 0 : i32
      %dma_start3A_204 = tpu.memref_slice %arg13[%dma_start3A_202, %dma_start3A_203] : memref<10000x128xf32, #tpu.memory_space<vmem_shared>> -> memref<10000x128xf32, #tpu.memory_space<vmem_shared>>
      tpu.enqueue_indirect_dma source(%arg11 : memref<80x128xf32, #tpu.memory_space<vmem>>) target(%dma_start3A_204 : memref<10000x128xf32, #tpu.memory_space<vmem_shared>>) offsets(%arg8 : memref<80xi32, #tpu.memory_space<vmem>>) semaphore(%arg21 : memref<!tpu.dma_semaphore, #tpu.memory_space<semaphore_mem>>) {add = true}
      %dma_wait3A_205 = arith.constant 0 : i32
      %dma_wait3A_206 = arith.constant 0 : i32
      %dma_wait3A_207 = tpu.memref_slice %arg13[%dma_wait3A_205, %dma_wait3A_206] : memref<10000x128xf32, #tpu.memory_space<vmem_shared>> -> memref<10000x128xf32, #tpu.memory_space<vmem_shared>>
      tpu.wait_indirect_dma semaphore(%arg20 : memref<!tpu.dma_semaphore, #tpu.memory_space<semaphore_mem>>) src(%arg10 : memref<80x128xf32, #tpu.memory_space<vmem>>) dst(%dma_wait3A_207 : memref<10000x128xf32, #tpu.memory_space<vmem_shared>>)
      %add3A_208 = arith.constant 3 : i32
      %add3A_209 = arith.addi %mul3A_191, %add3A_208 : i32
      %dma_start3A_210 = arith.constant 0 : i32
      %dma_start3A_211 = tpu.memref_slice %arg6[%add3A_209, %dma_start3A_210] : memref<125x80xi32, #tpu.memory_space<vmem>> -> memref<1x80xi32, #tpu.memory_space<vmem>>
      %dma_start3A_212 = tpu.memref_squeeze %dma_start3A_211 : memref<1x80xi32, #tpu.memory_space<vmem>> -> memref<80xi32, #tpu.memory_space<vmem>>
      %dma_start3A_213 = arith.constant 0 : i32
      %dma_start3A_214 = arith.constant 0 : i32
      %dma_start3A_215 = tpu.memref_slice %arg2[%dma_start3A_213, %dma_start3A_214] : memref<10000x128xf32, #tpu.memory_space<hbm>> -> memref<10000x128xf32, #tpu.memory_space<hbm>>
      tpu.enqueue_indirect_dma source(%dma_start3A_215 : memref<10000x128xf32, #tpu.memory_space<hbm>>) target(%arg10 : memref<80x128xf32, #tpu.memory_space<vmem>>) offsets(%dma_start3A_212 : memref<80xi32, #tpu.memory_space<vmem>>) semaphore(%arg14 : memref<!tpu.dma_semaphore, #tpu.memory_space<semaphore_mem>>)
      %mul3A_216 = arith.constant 10000 : i32
      %mul3A_217 = arith.muli %add3A, %mul3A_216 : i32
      %add3A_218 = arith.constant 320000 : i32
      %add3A_219 = arith.addi %add3A_218, %mul3A_217 : i32
      %mul3A_220 = arith.constant 80 : i32
      %mul3A_221 = arith.muli %add3A_209, %mul3A_220 : i32
      %add3A_222 = arith.addi %add3A_219, %mul3A_221 : i32
      %dma_start3A_223 = tpu.memref_slice %arg4[%add3A_222] : memref<640000xi32, #tpu.memory_space<hbm>> -> memref<80xi32, #tpu.memory_space<hbm>>
      %dma_start3A_224 = tpu.memref_slice %arg4[%add3A_222] : memref<640000xi32, #tpu.memory_space<hbm>> -> memref<80xi32, #tpu.memory_space<hbm>>
      tpu.enqueue_dma source(%dma_start3A_224 : memref<80xi32, #tpu.memory_space<hbm>>) target(%arg7 : memref<80xi32, #tpu.memory_space<vmem>>) target_semaphore(%arg17 : memref<!tpu.dma_semaphore, #tpu.memory_space<semaphore_mem>>)
      %dma_wait3A_225 = arith.constant 0 : i32
      %dma_wait3A_226 = arith.constant 0 : i32
      %dma_wait3A_227 = tpu.memref_slice %arg2[%dma_wait3A_225, %dma_wait3A_226] : memref<10000x128xf32, #tpu.memory_space<hbm>> -> memref<80x128xf32, #tpu.memory_space<hbm>>
      %dma_wait3A_228 = arith.constant 0 : i32
      %dma_wait3A_229 = arith.constant 0 : i32
      %dma_wait3A_230 = tpu.memref_slice %arg2[%dma_wait3A_228, %dma_wait3A_229] : memref<10000x128xf32, #tpu.memory_space<hbm>> -> memref<80x128xf32, #tpu.memory_space<hbm>>
      tpu.wait_dma2 semaphore(%arg16 : memref<!tpu.dma_semaphore, #tpu.memory_space<semaphore_mem>>) src(%dma_wait3A_230 : memref<80x128xf32, #tpu.memory_space<hbm>>) dst(%arg12 : memref<80x128xf32, #tpu.memory_space<vmem>>)
      %dma_wait3A_231 = arith.constant 0 : i32
      %dma_wait3A_232 = tpu.memref_slice %arg4[%dma_wait3A_231] : memref<640000xi32, #tpu.memory_space<hbm>> -> memref<80xi32, #tpu.memory_space<hbm>>
      %dma_wait3A_233 = arith.constant 0 : i32
      %dma_wait3A_234 = tpu.memref_slice %arg4[%dma_wait3A_233] : memref<640000xi32, #tpu.memory_space<hbm>> -> memref<80xi32, #tpu.memory_space<hbm>>
      tpu.wait_dma2 semaphore(%arg19 : memref<!tpu.dma_semaphore, #tpu.memory_space<semaphore_mem>>) src(%dma_wait3A_234 : memref<80xi32, #tpu.memory_space<hbm>>) dst(%arg9 : memref<80xi32, #tpu.memory_space<vmem>>)
      %dma_start3A_235 = arith.constant 0 : i32
      %dma_start3A_236 = arith.constant 0 : i32
      %dma_start3A_237 = tpu.memref_slice %arg13[%dma_start3A_235, %dma_start3A_236] : memref<10000x128xf32, #tpu.memory_space<vmem_shared>> -> memref<10000x128xf32, #tpu.memory_space<vmem_shared>>
      tpu.enqueue_indirect_dma source(%arg12 : memref<80x128xf32, #tpu.memory_space<vmem>>) target(%dma_start3A_237 : memref<10000x128xf32, #tpu.memory_space<vmem_shared>>) offsets(%arg9 : memref<80xi32, #tpu.memory_space<vmem>>) semaphore(%arg22 : memref<!tpu.dma_semaphore, #tpu.memory_space<semaphore_mem>>) {add = true}
      %dma_wait3A_238 = arith.constant 0 : i32
      %dma_wait3A_239 = arith.constant 0 : i32
      %dma_wait3A_240 = tpu.memref_slice %arg13[%dma_wait3A_238, %dma_wait3A_239] : memref<10000x128xf32, #tpu.memory_space<vmem_shared>> -> memref<10000x128xf32, #tpu.memory_space<vmem_shared>>
      tpu.wait_indirect_dma semaphore(%arg21 : memref<!tpu.dma_semaphore, #tpu.memory_space<semaphore_mem>>) src(%arg11 : memref<80x128xf32, #tpu.memory_space<vmem>>) dst(%dma_wait3A_240 : memref<10000x128xf32, #tpu.memory_space<vmem_shared>>)
      %add3A_241 = arith.constant 4 : i32
      %add3A_242 = arith.addi %mul3A_191, %add3A_241 : i32
      %dma_start3A_243 = arith.constant 0 : i32
      %dma_start3A_244 = tpu.memref_slice %arg6[%add3A_242, %dma_start3A_243] : memref<125x80xi32, #tpu.memory_space<vmem>> -> memref<1x80xi32, #tpu.memory_space<vmem>>
      %dma_start3A_245 = tpu.memref_squeeze %dma_start3A_244 : memref<1x80xi32, #tpu.memory_space<vmem>> -> memref<80xi32, #tpu.memory_space<vmem>>
      %dma_start3A_246 = arith.constant 0 : i32
      %dma_start3A_247 = arith.constant 0 : i32
      %dma_start3A_248 = tpu.memref_slice %arg2[%dma_start3A_246, %dma_start3A_247] : memref<10000x128xf32, #tpu.memory_space<hbm>> -> memref<10000x128xf32, #tpu.memory_space<hbm>>
      tpu.enqueue_indirect_dma source(%dma_start3A_248 : memref<10000x128xf32, #tpu.memory_space<hbm>>) target(%arg11 : memref<80x128xf32, #tpu.memory_space<vmem>>) offsets(%dma_start3A_245 : memref<80xi32, #tpu.memory_space<vmem>>) semaphore(%arg15 : memref<!tpu.dma_semaphore, #tpu.memory_space<semaphore_mem>>)
      %mul3A_249 = arith.constant 10000 : i32
      %mul3A_250 = arith.muli %add3A, %mul3A_249 : i32
      %add3A_251 = arith.constant 320000 : i32
      %add3A_252 = arith.addi %add3A_251, %mul3A_250 : i32
      %mul3A_253 = arith.constant 80 : i32
      %mul3A_254 = arith.muli %add3A_242, %mul3A_253 : i32
      %add3A_255 = arith.addi %add3A_252, %mul3A_254 : i32
      %dma_start3A_256 = tpu.memref_slice %arg4[%add3A_255] : memref<640000xi32, #tpu.memory_space<hbm>> -> memref<80xi32, #tpu.memory_space<hbm>>
      %dma_start3A_257 = tpu.memref_slice %arg4[%add3A_255] : memref<640000xi32, #tpu.memory_space<hbm>> -> memref<80xi32, #tpu.memory_space<hbm>>
      tpu.enqueue_dma source(%dma_start3A_257 : memref<80xi32, #tpu.memory_space<hbm>>) target(%arg8 : memref<80xi32, #tpu.memory_space<vmem>>) target_semaphore(%arg18 : memref<!tpu.dma_semaphore, #tpu.memory_space<semaphore_mem>>)
      %dma_wait3A_258 = arith.constant 0 : i32
      %dma_wait3A_259 = arith.constant 0 : i32
      %dma_wait3A_260 = tpu.memref_slice %arg2[%dma_wait3A_258, %dma_wait3A_259] : memref<10000x128xf32, #tpu.memory_space<hbm>> -> memref<80x128xf32, #tpu.memory_space<hbm>>
      %dma_wait3A_261 = arith.constant 0 : i32
      %dma_wait3A_262 = arith.constant 0 : i32
      %dma_wait3A_263 = tpu.memref_slice %arg2[%dma_wait3A_261, %dma_wait3A_262] : memref<10000x128xf32, #tpu.memory_space<hbm>> -> memref<80x128xf32, #tpu.memory_space<hbm>>
      tpu.wait_dma2 semaphore(%arg14 : memref<!tpu.dma_semaphore, #tpu.memory_space<semaphore_mem>>) src(%dma_wait3A_263 : memref<80x128xf32, #tpu.memory_space<hbm>>) dst(%arg10 : memref<80x128xf32, #tpu.memory_space<vmem>>)
      %dma_wait3A_264 = arith.constant 0 : i32
      %dma_wait3A_265 = tpu.memref_slice %arg4[%dma_wait3A_264] : memref<640000xi32, #tpu.memory_space<hbm>> -> memref<80xi32, #tpu.memory_space<hbm>>
      %dma_wait3A_266 = arith.constant 0 : i32
      %dma_wait3A_267 = tpu.memref_slice %arg4[%dma_wait3A_266] : memref<640000xi32, #tpu.memory_space<hbm>> -> memref<80xi32, #tpu.memory_space<hbm>>
      tpu.wait_dma2 semaphore(%arg17 : memref<!tpu.dma_semaphore, #tpu.memory_space<semaphore_mem>>) src(%dma_wait3A_267 : memref<80xi32, #tpu.memory_space<hbm>>) dst(%arg7 : memref<80xi32, #tpu.memory_space<vmem>>)
      %dma_start3A_268 = arith.constant 0 : i32
      %dma_start3A_269 = arith.constant 0 : i32
      %dma_start3A_270 = tpu.memref_slice %arg13[%dma_start3A_268, %dma_start3A_269] : memref<10000x128xf32, #tpu.memory_space<vmem_shared>> -> memref<10000x128xf32, #tpu.memory_space<vmem_shared>>
      tpu.enqueue_indirect_dma source(%arg10 : memref<80x128xf32, #tpu.memory_space<vmem>>) target(%dma_start3A_270 : memref<10000x128xf32, #tpu.memory_space<vmem_shared>>) offsets(%arg7 : memref<80xi32, #tpu.memory_space<vmem>>) semaphore(%arg20 : memref<!tpu.dma_semaphore, #tpu.memory_space<semaphore_mem>>) {add = true}
      %dma_wait3A_271 = arith.constant 0 : i32
      %dma_wait3A_272 = arith.constant 0 : i32
      %dma_wait3A_273 = tpu.memref_slice %arg13[%dma_wait3A_271, %dma_wait3A_272] : memref<10000x128xf32, #tpu.memory_space<vmem_shared>> -> memref<10000x128xf32, #tpu.memory_space<vmem_shared>>
      tpu.wait_indirect_dma semaphore(%arg22 : memref<!tpu.dma_semaphore, #tpu.memory_space<semaphore_mem>>) src(%arg12 : memref<80x128xf32, #tpu.memory_space<vmem>>) dst(%dma_wait3A_273 : memref<10000x128xf32, #tpu.memory_space<vmem_shared>>)
      %add3A_274 = arith.constant 5 : i32
      %add3A_275 = arith.addi %mul3A_191, %add3A_274 : i32
      %dma_start3A_276 = arith.constant 0 : i32
      %dma_start3A_277 = tpu.memref_slice %arg6[%add3A_275, %dma_start3A_276] : memref<125x80xi32, #tpu.memory_space<vmem>> -> memref<1x80xi32, #tpu.memory_space<vmem>>
      %dma_start3A_278 = tpu.memref_squeeze %dma_start3A_277 : memref<1x80xi32, #tpu.memory_space<vmem>> -> memref<80xi32, #tpu.memory_space<vmem>>
      %dma_start3A_279 = arith.constant 0 : i32
      %dma_start3A_280 = arith.constant 0 : i32
      %dma_start3A_281 = tpu.memref_slice %arg2[%dma_start3A_279, %dma_start3A_280] : memref<10000x128xf32, #tpu.memory_space<hbm>> -> memref<10000x128xf32, #tpu.memory_space<hbm>>
      tpu.enqueue_indirect_dma source(%dma_start3A_281 : memref<10000x128xf32, #tpu.memory_space<hbm>>) target(%arg12 : memref<80x128xf32, #tpu.memory_space<vmem>>) offsets(%dma_start3A_278 : memref<80xi32, #tpu.memory_space<vmem>>) semaphore(%arg16 : memref<!tpu.dma_semaphore, #tpu.memory_space<semaphore_mem>>)
      %mul3A_282 = arith.constant 10000 : i32
      %mul3A_283 = arith.muli %add3A, %mul3A_282 : i32
      %add3A_284 = arith.constant 320000 : i32
      %add3A_285 = arith.addi %add3A_284, %mul3A_283 : i32
      %mul3A_286 = arith.constant 80 : i32
      %mul3A_287 = arith.muli %add3A_275, %mul3A_286 : i32
      %add3A_288 = arith.addi %add3A_285, %mul3A_287 : i32
      %dma_start3A_289 = tpu.memref_slice %arg4[%add3A_288] : memref<640000xi32, #tpu.memory_space<hbm>> -> memref<80xi32, #tpu.memory_space<hbm>>
      %dma_start3A_290 = tpu.memref_slice %arg4[%add3A_288] : memref<640000xi32, #tpu.memory_space<hbm>> -> memref<80xi32, #tpu.memory_space<hbm>>
      tpu.enqueue_dma source(%dma_start3A_290 : memref<80xi32, #tpu.memory_space<hbm>>) target(%arg9 : memref<80xi32, #tpu.memory_space<vmem>>) target_semaphore(%arg19 : memref<!tpu.dma_semaphore, #tpu.memory_space<semaphore_mem>>)
    }
    %scan3A_82 = arith.constant 40 : i32
    %dma_wait3A_83 = arith.constant 0 : i32
    %dma_wait3A_84 = arith.constant 0 : i32
    %dma_wait3A_85 = tpu.memref_slice %arg2[%dma_wait3A_83, %dma_wait3A_84] : memref<10000x128xf32, #tpu.memory_space<hbm>> -> memref<80x128xf32, #tpu.memory_space<hbm>>
    %dma_wait3A_86 = arith.constant 0 : i32
    %dma_wait3A_87 = arith.constant 0 : i32
    %dma_wait3A_88 = tpu.memref_slice %arg2[%dma_wait3A_86, %dma_wait3A_87] : memref<10000x128xf32, #tpu.memory_space<hbm>> -> memref<80x128xf32, #tpu.memory_space<hbm>>
    tpu.wait_dma2 semaphore(%arg15 : memref<!tpu.dma_semaphore, #tpu.memory_space<semaphore_mem>>) src(%dma_wait3A_88 : memref<80x128xf32, #tpu.memory_space<hbm>>) dst(%arg11 : memref<80x128xf32, #tpu.memory_space<vmem>>)
    %dma_wait3A_89 = arith.constant 0 : i32
    %dma_wait3A_90 = tpu.memref_slice %arg4[%dma_wait3A_89] : memref<640000xi32, #tpu.memory_space<hbm>> -> memref<80xi32, #tpu.memory_space<hbm>>
    %dma_wait3A_91 = arith.constant 0 : i32
    %dma_wait3A_92 = tpu.memref_slice %arg4[%dma_wait3A_91] : memref<640000xi32, #tpu.memory_space<hbm>> -> memref<80xi32, #tpu.memory_space<hbm>>
    tpu.wait_dma2 semaphore(%arg18 : memref<!tpu.dma_semaphore, #tpu.memory_space<semaphore_mem>>) src(%dma_wait3A_92 : memref<80xi32, #tpu.memory_space<hbm>>) dst(%arg8 : memref<80xi32, #tpu.memory_space<vmem>>)
    %dma_start3A_93 = arith.constant 0 : i32
    %dma_start3A_94 = arith.constant 0 : i32
    %dma_start3A_95 = tpu.memref_slice %arg13[%dma_start3A_93, %dma_start3A_94] : memref<10000x128xf32, #tpu.memory_space<vmem_shared>> -> memref<10000x128xf32, #tpu.memory_space<vmem_shared>>
    tpu.enqueue_indirect_dma source(%arg11 : memref<80x128xf32, #tpu.memory_space<vmem>>) target(%dma_start3A_95 : memref<10000x128xf32, #tpu.memory_space<vmem_shared>>) offsets(%arg8 : memref<80xi32, #tpu.memory_space<vmem>>) semaphore(%arg21 : memref<!tpu.dma_semaphore, #tpu.memory_space<semaphore_mem>>) {add = true}
    %dma_wait3A_96 = arith.constant 0 : i32
    %dma_wait3A_97 = arith.constant 0 : i32
    %dma_wait3A_98 = tpu.memref_slice %arg13[%dma_wait3A_96, %dma_wait3A_97] : memref<10000x128xf32, #tpu.memory_space<vmem_shared>> -> memref<10000x128xf32, #tpu.memory_space<vmem_shared>>
    tpu.wait_indirect_dma semaphore(%arg20 : memref<!tpu.dma_semaphore, #tpu.memory_space<semaphore_mem>>) src(%arg10 : memref<80x128xf32, #tpu.memory_space<vmem>>) dst(%dma_wait3A_98 : memref<10000x128xf32, #tpu.memory_space<vmem_shared>>)
    %dma_start3A_99 = arith.constant 123 : i32
    %dma_start3A_100 = arith.constant 0 : i32
    %dma_start3A_101 = tpu.memref_slice %arg6[%dma_start3A_99, %dma_start3A_100] : memref<125x80xi32, #tpu.memory_space<vmem>> -> memref<1x80xi32, #tpu.memory_space<vmem>>
    %dma_start3A_102 = tpu.memref_squeeze %dma_start3A_101 : memref<1x80xi32, #tpu.memory_space<vmem>> -> memref<80xi32, #tpu.memory_space<vmem>>
    %dma_start3A_103 = arith.constant 0 : i32
    %dma_start3A_104 = arith.constant 0 : i32
    %dma_start3A_105 = tpu.memref_slice %arg2[%dma_start3A_103, %dma_start3A_104] : memref<10000x128xf32, #tpu.memory_space<hbm>> -> memref<10000x128xf32, #tpu.memory_space<hbm>>
    tpu.enqueue_indirect_dma source(%dma_start3A_105 : memref<10000x128xf32, #tpu.memory_space<hbm>>) target(%arg10 : memref<80x128xf32, #tpu.memory_space<vmem>>) offsets(%dma_start3A_102 : memref<80xi32, #tpu.memory_space<vmem>>) semaphore(%arg14 : memref<!tpu.dma_semaphore, #tpu.memory_space<semaphore_mem>>)
    %mul3A_106 = arith.constant 10000 : i32
    %mul3A_107 = arith.muli %add3A, %mul3A_106 : i32
    %add3A_108 = arith.constant 320000 : i32
    %add3A_109 = arith.addi %add3A_108, %mul3A_107 : i32
    %add3A_110 = arith.constant 9840 : i32
    %add3A_111 = arith.addi %add3A_109, %add3A_110 : i32
    %dma_start3A_112 = tpu.memref_slice %arg4[%add3A_111] : memref<640000xi32, #tpu.memory_space<hbm>> -> memref<80xi32, #tpu.memory_space<hbm>>
    %dma_start3A_113 = tpu.memref_slice %arg4[%add3A_111] : memref<640000xi32, #tpu.memory_space<hbm>> -> memref<80xi32, #tpu.memory_space<hbm>>
    tpu.enqueue_dma source(%dma_start3A_113 : memref<80xi32, #tpu.memory_space<hbm>>) target(%arg7 : memref<80xi32, #tpu.memory_space<vmem>>) target_semaphore(%arg17 : memref<!tpu.dma_semaphore, #tpu.memory_space<semaphore_mem>>)
    %dma_wait3A_114 = arith.constant 0 : i32
    %dma_wait3A_115 = arith.constant 0 : i32
    %dma_wait3A_116 = tpu.memref_slice %arg2[%dma_wait3A_114, %dma_wait3A_115] : memref<10000x128xf32, #tpu.memory_space<hbm>> -> memref<80x128xf32, #tpu.memory_space<hbm>>
    %dma_wait3A_117 = arith.constant 0 : i32
    %dma_wait3A_118 = arith.constant 0 : i32
    %dma_wait3A_119 = tpu.memref_slice %arg2[%dma_wait3A_117, %dma_wait3A_118] : memref<10000x128xf32, #tpu.memory_space<hbm>> -> memref<80x128xf32, #tpu.memory_space<hbm>>
    tpu.wait_dma2 semaphore(%arg16 : memref<!tpu.dma_semaphore, #tpu.memory_space<semaphore_mem>>) src(%dma_wait3A_119 : memref<80x128xf32, #tpu.memory_space<hbm>>) dst(%arg12 : memref<80x128xf32, #tpu.memory_space<vmem>>)
    %dma_wait3A_120 = arith.constant 0 : i32
    %dma_wait3A_121 = tpu.memref_slice %arg4[%dma_wait3A_120] : memref<640000xi32, #tpu.memory_space<hbm>> -> memref<80xi32, #tpu.memory_space<hbm>>
    %dma_wait3A_122 = arith.constant 0 : i32
    %dma_wait3A_123 = tpu.memref_slice %arg4[%dma_wait3A_122] : memref<640000xi32, #tpu.memory_space<hbm>> -> memref<80xi32, #tpu.memory_space<hbm>>
    tpu.wait_dma2 semaphore(%arg19 : memref<!tpu.dma_semaphore, #tpu.memory_space<semaphore_mem>>) src(%dma_wait3A_123 : memref<80xi32, #tpu.memory_space<hbm>>) dst(%arg9 : memref<80xi32, #tpu.memory_space<vmem>>)
    %dma_start3A_124 = arith.constant 0 : i32
    %dma_start3A_125 = arith.constant 0 : i32
    %dma_start3A_126 = tpu.memref_slice %arg13[%dma_start3A_124, %dma_start3A_125] : memref<10000x128xf32, #tpu.memory_space<vmem_shared>> -> memref<10000x128xf32, #tpu.memory_space<vmem_shared>>
    tpu.enqueue_indirect_dma source(%arg12 : memref<80x128xf32, #tpu.memory_space<vmem>>) target(%dma_start3A_126 : memref<10000x128xf32, #tpu.memory_space<vmem_shared>>) offsets(%arg9 : memref<80xi32, #tpu.memory_space<vmem>>) semaphore(%arg22 : memref<!tpu.dma_semaphore, #tpu.memory_space<semaphore_mem>>) {add = true}
    %dma_wait3A_127 = arith.constant 0 : i32
    %dma_wait3A_128 = arith.constant 0 : i32
    %dma_wait3A_129 = tpu.memref_slice %arg13[%dma_wait3A_127, %dma_wait3A_128] : memref<10000x128xf32, #tpu.memory_space<vmem_shared>> -> memref<10000x128xf32, #tpu.memory_space<vmem_shared>>
    tpu.wait_indirect_dma semaphore(%arg21 : memref<!tpu.dma_semaphore, #tpu.memory_space<semaphore_mem>>) src(%arg11 : memref<80x128xf32, #tpu.memory_space<vmem>>) dst(%dma_wait3A_129 : memref<10000x128xf32, #tpu.memory_space<vmem_shared>>)
    %dma_start3A_130 = arith.constant 124 : i32
    %dma_start3A_131 = arith.constant 0 : i32
    %dma_start3A_132 = tpu.memref_slice %arg6[%dma_start3A_130, %dma_start3A_131] : memref<125x80xi32, #tpu.memory_space<vmem>> -> memref<1x80xi32, #tpu.memory_space<vmem>>
    %dma_start3A_133 = tpu.memref_squeeze %dma_start3A_132 : memref<1x80xi32, #tpu.memory_space<vmem>> -> memref<80xi32, #tpu.memory_space<vmem>>
    %dma_start3A_134 = arith.constant 0 : i32
    %dma_start3A_135 = arith.constant 0 : i32
    %dma_start3A_136 = tpu.memref_slice %arg2[%dma_start3A_134, %dma_start3A_135] : memref<10000x128xf32, #tpu.memory_space<hbm>> -> memref<10000x128xf32, #tpu.memory_space<hbm>>
    tpu.enqueue_indirect_dma source(%dma_start3A_136 : memref<10000x128xf32, #tpu.memory_space<hbm>>) target(%arg11 : memref<80x128xf32, #tpu.memory_space<vmem>>) offsets(%dma_start3A_133 : memref<80xi32, #tpu.memory_space<vmem>>) semaphore(%arg15 : memref<!tpu.dma_semaphore, #tpu.memory_space<semaphore_mem>>)
    %mul3A_137 = arith.constant 10000 : i32
    %mul3A_138 = arith.muli %add3A, %mul3A_137 : i32
    %add3A_139 = arith.constant 320000 : i32
    %add3A_140 = arith.addi %add3A_139, %mul3A_138 : i32
    %add3A_141 = arith.constant 9920 : i32
    %add3A_142 = arith.addi %add3A_140, %add3A_141 : i32
    %dma_start3A_143 = tpu.memref_slice %arg4[%add3A_142] : memref<640000xi32, #tpu.memory_space<hbm>> -> memref<80xi32, #tpu.memory_space<hbm>>
    %dma_start3A_144 = tpu.memref_slice %arg4[%add3A_142] : memref<640000xi32, #tpu.memory_space<hbm>> -> memref<80xi32, #tpu.memory_space<hbm>>
    tpu.enqueue_dma source(%dma_start3A_144 : memref<80xi32, #tpu.memory_space<hbm>>) target(%arg8 : memref<80xi32, #tpu.memory_space<vmem>>) target_semaphore(%arg18 : memref<!tpu.dma_semaphore, #tpu.memory_space<semaphore_mem>>)
    %dma_wait3A_145 = arith.constant 0 : i32
    %dma_wait3A_146 = arith.constant 0 : i32
    %dma_wait3A_147 = tpu.memref_slice %arg2[%dma_wait3A_145, %dma_wait3A_146] : memref<10000x128xf32, #tpu.memory_space<hbm>> -> memref<80x128xf32, #tpu.memory_space<hbm>>
    %dma_wait3A_148 = arith.constant 0 : i32
    %dma_wait3A_149 = arith.constant 0 : i32
    %dma_wait3A_150 = tpu.memref_slice %arg2[%dma_wait3A_148, %dma_wait3A_149] : memref<10000x128xf32, #tpu.memory_space<hbm>> -> memref<80x128xf32, #tpu.memory_space<hbm>>
    tpu.wait_dma2 semaphore(%arg14 : memref<!tpu.dma_semaphore, #tpu.memory_space<semaphore_mem>>) src(%dma_wait3A_150 : memref<80x128xf32, #tpu.memory_space<hbm>>) dst(%arg10 : memref<80x128xf32, #tpu.memory_space<vmem>>)
    %dma_wait3A_151 = arith.constant 0 : i32
    %dma_wait3A_152 = tpu.memref_slice %arg4[%dma_wait3A_151] : memref<640000xi32, #tpu.memory_space<hbm>> -> memref<80xi32, #tpu.memory_space<hbm>>
    %dma_wait3A_153 = arith.constant 0 : i32
    %dma_wait3A_154 = tpu.memref_slice %arg4[%dma_wait3A_153] : memref<640000xi32, #tpu.memory_space<hbm>> -> memref<80xi32, #tpu.memory_space<hbm>>
    tpu.wait_dma2 semaphore(%arg17 : memref<!tpu.dma_semaphore, #tpu.memory_space<semaphore_mem>>) src(%dma_wait3A_154 : memref<80xi32, #tpu.memory_space<hbm>>) dst(%arg7 : memref<80xi32, #tpu.memory_space<vmem>>)
    %dma_start3A_155 = arith.constant 0 : i32
    %dma_start3A_156 = arith.constant 0 : i32
    %dma_start3A_157 = tpu.memref_slice %arg13[%dma_start3A_155, %dma_start3A_156] : memref<10000x128xf32, #tpu.memory_space<vmem_shared>> -> memref<10000x128xf32, #tpu.memory_space<vmem_shared>>
    tpu.enqueue_indirect_dma source(%arg10 : memref<80x128xf32, #tpu.memory_space<vmem>>) target(%dma_start3A_157 : memref<10000x128xf32, #tpu.memory_space<vmem_shared>>) offsets(%arg7 : memref<80xi32, #tpu.memory_space<vmem>>) semaphore(%arg20 : memref<!tpu.dma_semaphore, #tpu.memory_space<semaphore_mem>>) {add = true}
    %dma_wait3A_158 = arith.constant 0 : i32
    %dma_wait3A_159 = arith.constant 0 : i32
    %dma_wait3A_160 = tpu.memref_slice %arg13[%dma_wait3A_158, %dma_wait3A_159] : memref<10000x128xf32, #tpu.memory_space<vmem_shared>> -> memref<10000x128xf32, #tpu.memory_space<vmem_shared>>
    tpu.wait_indirect_dma semaphore(%arg22 : memref<!tpu.dma_semaphore, #tpu.memory_space<semaphore_mem>>) src(%arg12 : memref<80x128xf32, #tpu.memory_space<vmem>>) dst(%dma_wait3A_160 : memref<10000x128xf32, #tpu.memory_space<vmem_shared>>)
    %dma_wait3A_161 = arith.constant 0 : i32
    %dma_wait3A_162 = arith.constant 0 : i32
    %dma_wait3A_163 = tpu.memref_slice %arg2[%dma_wait3A_161, %dma_wait3A_162] : memref<10000x128xf32, #tpu.memory_space<hbm>> -> memref<80x128xf32, #tpu.memory_space<hbm>>
    %dma_wait3A_164 = arith.constant 0 : i32
    %dma_wait3A_165 = arith.constant 0 : i32
    %dma_wait3A_166 = tpu.memref_slice %arg2[%dma_wait3A_164, %dma_wait3A_165] : memref<10000x128xf32, #tpu.memory_space<hbm>> -> memref<80x128xf32, #tpu.memory_space<hbm>>
    tpu.wait_dma2 semaphore(%arg15 : memref<!tpu.dma_semaphore, #tpu.memory_space<semaphore_mem>>) src(%dma_wait3A_166 : memref<80x128xf32, #tpu.memory_space<hbm>>) dst(%arg11 : memref<80x128xf32, #tpu.memory_space<vmem>>)
    %dma_wait3A_167 = arith.constant 0 : i32
    %dma_wait3A_168 = tpu.memref_slice %arg4[%dma_wait3A_167] : memref<640000xi32, #tpu.memory_space<hbm>> -> memref<80xi32, #tpu.memory_space<hbm>>
    %dma_wait3A_169 = arith.constant 0 : i32
    %dma_wait3A_170 = tpu.memref_slice %arg4[%dma_wait3A_169] : memref<640000xi32, #tpu.memory_space<hbm>> -> memref<80xi32, #tpu.memory_space<hbm>>
    tpu.wait_dma2 semaphore(%arg18 : memref<!tpu.dma_semaphore, #tpu.memory_space<semaphore_mem>>) src(%dma_wait3A_170 : memref<80xi32, #tpu.memory_space<hbm>>) dst(%arg8 : memref<80xi32, #tpu.memory_space<vmem>>)
    %dma_start3A_171 = arith.constant 0 : i32
    %dma_start3A_172 = arith.constant 0 : i32
    %dma_start3A_173 = tpu.memref_slice %arg13[%dma_start3A_171, %dma_start3A_172] : memref<10000x128xf32, #tpu.memory_space<vmem_shared>> -> memref<10000x128xf32, #tpu.memory_space<vmem_shared>>
    tpu.enqueue_indirect_dma source(%arg11 : memref<80x128xf32, #tpu.memory_space<vmem>>) target(%dma_start3A_173 : memref<10000x128xf32, #tpu.memory_space<vmem_shared>>) offsets(%arg8 : memref<80xi32, #tpu.memory_space<vmem>>) semaphore(%arg21 : memref<!tpu.dma_semaphore, #tpu.memory_space<semaphore_mem>>) {add = true}
    %dma_wait3A_174 = arith.constant 0 : i32
    %dma_wait3A_175 = arith.constant 0 : i32
    %dma_wait3A_176 = tpu.memref_slice %arg13[%dma_wait3A_174, %dma_wait3A_175] : memref<10000x128xf32, #tpu.memory_space<vmem_shared>> -> memref<10000x128xf32, #tpu.memory_space<vmem_shared>>
    tpu.wait_indirect_dma semaphore(%arg20 : memref<!tpu.dma_semaphore, #tpu.memory_space<semaphore_mem>>) src(%arg10 : memref<80x128xf32, #tpu.memory_space<vmem>>) dst(%dma_wait3A_176 : memref<10000x128xf32, #tpu.memory_space<vmem_shared>>)
    %dma_wait3A_177 = arith.constant 0 : i32
    %dma_wait3A_178 = arith.constant 0 : i32
    %dma_wait3A_179 = tpu.memref_slice %arg13[%dma_wait3A_177, %dma_wait3A_178] : memref<10000x128xf32, #tpu.memory_space<vmem_shared>> -> memref<10000x128xf32, #tpu.memory_space<vmem_shared>>
    tpu.wait_indirect_dma semaphore(%arg21 : memref<!tpu.dma_semaphore, #tpu.memory_space<semaphore_mem>>) src(%arg11 : memref<80x128xf32, #tpu.memory_space<vmem>>) dst(%dma_wait3A_179 : memref<10000x128xf32, #tpu.memory_space<vmem_shared>>)
    %barrier3A_180 = arith.constant 0 : index
    tpu.barrier barrier_id(%barrier3A_180)
    %eq3A_181 = arith.constant 15 : i32
    %eq3A_182 = arith.cmpi eq, %arg1, %eq3A_181 : i32
    %jit3A_183 = arith.constant 640 : i32
    %jit3A_184 = arith.constant 624 : i32
    %select_n3A_185 = arith.select %eq3A_182, %jit3A_183, %jit3A_184 : i32
    %mul3A_186 = arith.constant 10000 : i32
    %mul3A_187 = arith.muli %arg0, %mul3A_186 : i32
    %add3A_188 = arith.addi %mul3A_187, %mul3A_36 : i32
    "tpu.region"() ({
      %run_scoped3A_189 = tpu.sem_alloc : memref<!tpu.dma_semaphore, #tpu.memory_space<semaphore_mem>>
      %dma_start3A_190 = arith.constant 0 : i32
      %dma_start3A_191 = tpu.memref_slice %arg5[%add3A_188, %dma_start3A_190] <%select_n3A_185> : memref<20000x128xf32, #tpu.memory_space<hbm>> -> memref<?x128xf32, #tpu.memory_space<hbm>>
      %dma_start3A_192 = arith.constant 0 : i32
      %dma_start3A_193 = tpu.memref_slice %arg13[%mul3A_36, %dma_start3A_192] <%select_n3A_185> : memref<10000x128xf32, #tpu.memory_space<vmem_shared>> -> memref<?x128xf32, #tpu.memory_space<vmem_shared>>
      tpu.enqueue_dma source(%dma_start3A_193 : memref<?x128xf32, #tpu.memory_space<vmem_shared>>) target(%dma_start3A_191 : memref<?x128xf32, #tpu.memory_space<hbm>>) target_semaphore(%run_scoped3A_189 : memref<!tpu.dma_semaphore, #tpu.memory_space<semaphore_mem>>)
      %dma_wait3A_194 = arith.constant 0 : i32
      %dma_wait3A_195 = tpu.memref_slice %arg5[%add3A_188, %dma_wait3A_194] <%select_n3A_185> : memref<20000x128xf32, #tpu.memory_space<hbm>> -> memref<?x128xf32, #tpu.memory_space<hbm>>
      %dma_wait3A_196 = arith.constant 0 : i32
      %dma_wait3A_197 = tpu.memref_slice %arg13[%mul3A_36, %dma_wait3A_196] <%select_n3A_185> : memref<10000x128xf32, #tpu.memory_space<vmem_shared>> -> memref<?x128xf32, #tpu.memory_space<vmem_shared>>
      tpu.wait_dma2 semaphore(%run_scoped3A_189 : memref<!tpu.dma_semaphore, #tpu.memory_space<semaphore_mem>>) src(%dma_wait3A_197 : memref<?x128xf32, #tpu.memory_space<vmem_shared>>) dst(%dma_wait3A_195 : memref<?x128xf32, #tpu.memory_space<hbm>>)
      tpu.yield
    }) : () -> ()
    return
  }
}

module attributes {stable_mosaic.version = 14 : i64} {
  func.func @_fin_body(%arg0: i32, %arg1: memref<1000x128xf32, #tpu.memory_space<vmem>>, %arg2: memref<1000x128xf32, #tpu.memory_space<vmem>>, %arg3: memref<128x128xf32, #tpu.memory_space<vmem>>, %arg4: memref<1x128xf32, #tpu.memory_space<vmem>>, %arg5: memref<1000x128xf32, #tpu.memory_space<vmem>>) attributes {dimension_semantics = [#tpu.dimension_semantics<arbitrary>], iteration_bounds = array<i64: 10>, scalar_prefetch = 0 : i64, scratch_operands = 0 : i64, tpu.core_type = #tpu.core_type<tc>, window_params = [{transform_indices = @transform_0, window_bounds = array<i64: 1000, 128>}, {transform_indices = @transform_1, window_bounds = array<i64: 1000, 128>}, {pipeline_mode = #tpu.pipeline_mode<synchronous>, transform_indices = @transform_2, window_bounds = array<i64: 128, 128>}, {pipeline_mode = #tpu.pipeline_mode<synchronous>, transform_indices = @transform_3, window_bounds = array<i64: 1, 128>}, {transform_indices = @transform_4, window_bounds = array<i64: 1000, 128>}]} {
    %get3A = arith.constant 0 : index
    %get3A_0 = arith.constant 0 : index
    %get3A_1 = vector.load %arg1[%get3A, %get3A_0] : memref<1000x128xf32, #tpu.memory_space<vmem>>, vector<1000x128xf32>
    %get3A_2 = arith.constant 0 : index
    %get3A_3 = arith.constant 0 : index
    %get3A_4 = vector.load %arg2[%get3A_2, %get3A_3] : memref<1000x128xf32, #tpu.memory_space<vmem>>, vector<1000x128xf32>
    %add3A = arith.addf %get3A_1, %get3A_4 : vector<1000x128xf32>
    %get3A_5 = arith.constant 0 : index
    %get3A_6 = arith.constant 0 : index
    %get3A_7 = vector.load %arg3[%get3A_5, %get3A_6] : memref<128x128xf32, #tpu.memory_space<vmem>>, vector<128x128xf32>
    %dot_general3A = arith.constant dense<0.000000e+00> : vector<1000x128xf32>
    %dot_general3A_8 = tpu.matmul %add3A, %get3A_7, %dot_general3A {dimension_numbers = #tpu.dot_dimension_numbers<[1], [0], [0], [1], [0, 0, 1, 1], [], []>, transpose_lhs_hint = false} : vector<1000x128xf32>, vector<128x128xf32>, vector<1000x128xf32> -> vector<1000x128xf32>
    %get3A_9 = arith.constant 0 : index
    %get3A_10 = arith.constant 0 : index
    %get3A_11 = vector.load %arg4[%get3A_9, %get3A_10] : memref<1x128xf32, #tpu.memory_space<vmem>>, vector<1x128xf32>
    %add3A_12 = vector.broadcast %get3A_11 : vector<1x128xf32> to vector<1000x128xf32>
    %add3A_13 = arith.addf %dot_general3A_8, %add3A_12 : vector<1000x128xf32>
    %swap3A = arith.constant 0 : index
    %swap3A_14 = arith.constant 0 : index
    %swap3A_15 = vector.load %arg5[%swap3A, %swap3A_14] : memref<1000x128xf32, #tpu.memory_space<vmem>>, vector<1000x128xf32>
    tpu.vector_store %arg5[%swap3A, %swap3A_14], %add3A_13 {strides = array<i32>} : memref<1000x128xf32, #tpu.memory_space<vmem>>, vector<1000x128xf32>,
    return
  }
  func.func @transform_0(%arg0: i32) -> (i32, i32) {
    %c0_i32 = arith.constant 0 : i32
    %c0_i32_0 = arith.constant 0 : i32
    return %arg0, %c0_i32 : i32, i32
  }
  func.func @transform_1(%arg0: i32) -> (i32, i32) {
    %add3A = arith.constant 10 : i32
    %add3A_0 = arith.addi %arg0, %add3A : i32
    %c0_i32 = arith.constant 0 : i32
    %c0_i32_1 = arith.constant 0 : i32
    return %add3A_0, %c0_i32 : i32, i32
  }
  func.func @transform_2(%arg0: i32) -> (i32, i32) {
    %c0_i32 = arith.constant 0 : i32
    %c0_i32_0 = arith.constant 0 : i32
    %c0_i32_1 = arith.constant 0 : i32
    return %c0_i32, %c0_i32_0 : i32, i32
  }
  func.func @transform_3(%arg0: i32) -> (i32, i32) {
    %c0_i32 = arith.constant 0 : i32
    %c0_i32_0 = arith.constant 0 : i32
    %c0_i32_1 = arith.constant 0 : i32
    return %c0_i32, %c0_i32_0 : i32, i32
  }
  func.func @transform_4(%arg0: i32) -> (i32, i32) {
    %c0_i32 = arith.constant 0 : i32
    %c0_i32_0 = arith.constant 0 : i32
    return %arg0, %c0_i32 : i32, i32
  }
}

</mosaic_0001>

<sc_bundles>
// kernel: _gcn.4.cloned.1.call-start
scs
__scs_entry_jumppad:
0x0: {  	(pc) =	sbr.rel $0x88, $3  }
0x1: {  	(tag) =	ssettag $0x0;
	lr =	simm.s32 $0x1  }
0x2: {  	[smem:$0x3F9D] =	sst lr;
	_ =	strace $0xD0000000  }
0x3: {  	_ = 	snop  }
0x4: {  	_ = 	snop  }
0x5: {  	_ = 	snop  }
0x6: {  	_ = 	snop  }
0x7: {  	_ = 	snop  }
__scs_overlays_trampoline_lowered:
0x8: {  	[smem:$0x3FAC] =	sst s0  }
0x9: {  	[smem:$0x3FAD] =	sst s1  }
0xa: {  	[smem:$0x3FAE] =	sst s2  }
0xb: {  	[smem:$0x3FAF] =	sst s3  }
0xc: {  	[smem:$0x3FB0] =	sst s4  }
0xd: {  	[smem:$0x3FB1] =	sst s5  }
0xe: {  	[smem:$0x3FB2] =	sst s6  }
0xf: {  	[smem:$0x3FB3] =	sst s7  }
0x10: {  	[smem:$0x3FB4] =	sst s8  }
0x11: {  	[smem:$0x3FB5] =	sst s9;
	s0 =	simm.s32 @!p0 $0x0  }
0x12: {  	s1 =	sld [smem:$0x3F9B];
	s0 =	simm.s32 @p0 $0x1  }
0x13: {  	[smem:$0x3FB6] =	sst s0;
	s0 =	simm.s32 @!p1 $0x0  }
0x14: {  	s2 =	sld [smem:$0x3F9A];
	s0 =	simm.s32 @p1 $0x1  }
0x15: {  	[smem:$0x3FB7] =	sst s0;
	s0 =	simm.s32 @!p2 $0x0  }
0x16: {  	s3 =	sld [smem:$0x3FDB];
	s0 =	simm.s32 @p2 $0x1  }
0x17: {  	s4 =	simm.s32 $0x1BF5;
	[smem:$0x3FB9] =	sst s0  }
0x18: {  	s0 =	sld [smem:$0x3F9C];
	_ =	swait.ge [sflag:s4], $0x0  }
0x19: {  	s7 =	sld [smem:$0x3F9D]  }
0x1a: {  	s8 =	sadd.s32 $0xFFFFE003, lr  }
0x1b: {  	s9 =	sadd.s32 $0xFFFFFEF7, lr;
	s5 =	simm.s32 $0xFFFFFFFF;
	p2 =	slt.u32 s8, $0xFFFFF086  }
0x1c: {  	p1 =	slt.u32 s9, $0xF7A;
	s5 =	simm.s32 @!p2 $0x0  }
0x1d: {  	s5 =	simm.s32 @p1 $0x1;
	p0 =	seq.s32 s7, s2  }
0x1e: {  	s7 =	smul.u32 @!p0 $0xF7A, s2;
	p2 =	seq.s32 @!p0 s5, $0x0  }
0x1f: {  	s9 =	smul.u32 $0xF7A, s1;
	s8 =	simm.s32 @!p0 $0x1BF5;
	p2 =	por !p2, p0  }
0x20: {  	[sflag:s8] =	ssyncset.s32 @!p0 $0xFFFFF086;
	s6 =	sadd.s32 @!p0 s3, s7;
	s7 =	simm.s32 @!p0 $0x108  }
0x21: {  	s3 =	sadd.s32 s3, s9;
	s6 =	sadd.s32 @!p0 $0x88, s6;
	s7 =	simm.s32 @p2 $0x1082  }
0x22: {  	[simem:s7], [sflag:s8] =	dma.local @!p0 [hbm:s6], $0xF7A  }
0x23: {  	s9 =	sor.u32 $0xD0000000, s2;
	s6 =	simm.s32 $0x108;
	_ =	swait.ge @!p0 [sflag:s8], $0x0  }
0x24: {  	s3 =	sadd.s32 $0x88, s3;
	s6 =	simm.s32 @!p1 $0x1082;
	[sflag:s4] =	ssyncset.s32 $0xFFFFF086  }
0x25: {  	[simem:s6], [sflag:s4] =	dma.local [hbm:s3], $0xF7A  }
0x26: {  	[smem:$0x3F9D] =	sst s1;
	(tag) =	ssettag s2;
	_ =	strace s9  }
0x27: {  	s1 =	sld [smem:$0x3FAD]  }
0x28: {  	s2 =	sld [smem:$0x3FAE]  }
0x29: {  	s4 =	sld [smem:$0x3FB0]  }
0x2a: {  	p0 =	seq.s32 s5, $0x0;
	s5 =	sld [smem:$0x3FB1]  }
0x2b: {  	s6 =	sld [smem:$0x3FB2]  }
0x2c: {  	s7 =	sld [smem:$0x3FB3]  }
0x2d: {  	s3 =	simm.s32 $0x108;
	s8 =	sld [smem:$0x3FB4]  }
0x2e: {  	s3 =	simm.s32 @!p0 $0x1082;
	s9 =	sld [smem:$0x3FB5]  }
0x2f: {  	lr =	sadd.s32 s0, s3;
	s0 =	sld [smem:$0x3FAC]  }
0x30: {  	s3 =	sld [smem:$0x3FAF]  }
0x31: {  	[smem:$0x3FB8] =	sst s10  }
0x32: {  	s10 =	sld [smem:$0x3FB6];
	_ =	sdelay $0x3  }
0x33: {  	p0 =	seq.s32 s10, $0x1;
	s10 =	sld [smem:$0x3FB8];
	_ =	sdelay $0x3  }
0x34: {  	[smem:$0x3FB8] =	sst s10  }
0x35: {  	s10 =	sld [smem:$0x3FB7];
	_ =	sdelay $0x3  }
0x36: {  	p1 =	seq.s32 s10, $0x1;
	s10 =	sld [smem:$0x3FB8];
	_ =	sdelay $0x3  }
0x37: {  	[smem:$0x3FB8] =	sst s10  }
0x38: {  	s10 =	sld [smem:$0x3FB9]  }
0x39: {  	_ = 	snop;
	(pc) =	sbr.ind lr, $3  }
0x3a: {  	_ = 	snop  }
0x3b: {  	_ = 	snop  }
0x3c: {  	p2 =	seq.s32 s10, $0x1;
	s10 =	sld [smem:$0x3FB8]  }
0x3d: {  	_ =	shalt  }
0x3e: {  	_ =	shalt  }
0x3f: {  	_ =	shalt  }
0x40: {  	_ =	shalt  }
0x41: {  	_ =	shalt  }
0x42: {  	_ =	shalt  }
0x43: {  	_ =	shalt  }
0x44: {  	_ =	shalt  }
0x45: {  	_ =	shalt  }
0x46: {  	_ =	shalt  }
0x47: {  	_ =	shalt  }
0x48: {  	_ =	shalt  }
0x49: {  	_ =	shalt  }
0x4a: {  	_ =	shalt  }
0x4b: {  	_ =	shalt  }
0x4c: {  	_ =	shalt  }
0x4d: {  	_ =	shalt  }
0x4e: {  	_ =	shalt  }
0x4f: {  	_ =	shalt  }
0x50: {  	_ =	shalt  }
0x51: {  	_ =	shalt  }
0x52: {  	_ =	shalt  }
0x53: {  	_ =	shalt  }
0x54: {  	_ =	shalt  }
0x55: {  	_ =	shalt  }
0x56: {  	_ =	shalt  }
0x57: {  	_ =	shalt  }
0x58: {  	_ =	shalt  }
0x59: {  	_ =	shalt  }
0x5a: {  	_ =	shalt  }
0x5b: {  	_ =	shalt  }
0x5c: {  	_ =	shalt  }
0x5d: {  	_ =	shalt  }
0x5e: {  	_ =	shalt  }
0x5f: {  	_ =	shalt  }
0x60: {  	_ =	shalt  }
0x61: {  	_ =	shalt  }
0x62: {  	_ =	shalt  }
0x63: {  	_ =	shalt  }
0x64: {  	_ =	shalt  }
0x65: {  	_ =	shalt  }
0x66: {  	_ =	shalt  }
0x67: {  	_ =	shalt  }
0x68: {  	_ =	shalt  }
0x69: {  	_ =	shalt  }
0x6a: {  	_ =	shalt  }
0x6b: {  	_ =	shalt  }
0x6c: {  	_ =	shalt  }
0x6d: {  	_ =	shalt  }
0x6e: {  	_ =	shalt  }
0x6f: {  	_ =	shalt  }
0x70: {  	_ =	shalt  }
0x71: {  	_ =	shalt  }
0x72: {  	_ =	shalt  }
0x73: {  	_ =	shalt  }
0x74: {  	_ =	shalt  }
0x75: {  	_ =	shalt  }
0x76: {  	_ =	shalt  }
0x77: {  	_ =	shalt  }
0x78: {  	_ =	shalt  }
0x79: {  	_ =	shalt  }
0x7a: {  	_ =	shalt  }
0x7b: {  	_ =	shalt  }
0x7c: {  	_ =	shalt  }
0x7d: {  	_ =	shalt  }
0x7e: {  	_ =	shalt  }
0x7f: {  	_ =	shalt  }
0x80: {  	_ =	shalt  }
0x81: {  	_ =	shalt  }
0x82: {  	_ =	shalt  }
0x83: {  	_ =	shalt  }
0x84: {  	_ =	shalt  }
0x85: {  	_ =	shalt  }
0x86: {  	_ =	shalt  }
0x87: {  	_ =	shalt  }
.Lfunc_end0:
.L_simem_size_0:
called_computation_lowered:
.L_overlay_start_0:
0x88: {  	s2 =	sld [smem:$0x3FD9]  }
0x89: {  	s3 =	sld [smem:$0x3FFE];
	_ =	sdelay $0x1  }
0x8a: {  	s1 =	srdreg.scid  }
0x8b: {  	s0 =	sand.u32 $0x1, s1  }
0x8c: {  	s17 =	sshll.u32 s0, $0xA;
	s2 =	sadd.s32 s3, s2  }
0x8d: {  	s2 =	sadd.s32 s2, s17  }
0x8e: {  	[smem:$0x3FC4] =	sst s2  }
0x8f: {  	_ = 	snop  }
0x90: {  	s2 =	sld [smem:$0x3FC9]  }
0x91: {  	s18 =	sld [smem:$0x3FD0];
	(tm) =	ssettm $0x1  }
0x92: {  	s4 =	sld [smem:$0x3FFB];
	_ =	sdelay $0x3  }
0x93: {  	_ =	strace s4  }
0x94: {  	s4 =	sld [smem:$0x3FFC];
	_ =	sdelay $0x3  }
0x95: {  	_ =	strace s4  }
0x96: {  	s4 =	sld [smem:$0x3FFD];
	_ =	sdelay $0x3  }
0x97: {  	_ =	strace s4  }
0x98: {  	_ =	strace $0x8FFFFFFF  }
0x99: {  	s19 =	sld [smem:$0x3FDB];
	_ =	sdelay $0x1  }
0x9a: {  	s5 =	simm.s32 $_scs_section_size  }
0x9b: {  	s6 =	simm.s32 $_size__tile_overlayer_lowered;
	s7 =	simm.s32 $_tile_overlayer_lowered  }
0x9c: {  	s22 =	simm.s32 $0x1BFF;
	s21 =	sshll.u32 s7, $0x1;
	s4 =	sadd.s32 s5, s19  }
0x9d: {  	s8 =	simm.s32 $0x0;
	s20 =	sshll.u32 s6, $0x1;
	s6 =	sadd.s32 s21, s4  }
0x9e: {  	[timem:s8], [sflag:s22] =	dma.local [hbm:s6], s20  }
0x9f: {  	_ =	swait.ge [sflag:s22], s20  }
0xa0: {  	s5 =	ssub.s32 $0x0, s20;
	[sflag:s22] =	ssyncset.done $0x0  }
0xa1: {  	[sflag:s22] =	ssyncadd.s32 s5;
	_ =	sdelay $0x1  }
0xa2: {  	s23 =	simm.s32 $0x1B8B  }
0xa3: {  	_ =	swait.ge [sflag:s23], $0x1  }
0xa4: {  	[sflag:s23] =	ssyncset.done $0x0  }
0xa5: {  	s25 =	simm.s32 $0x1B8E;
	s24 =	sld [smem:$0x3FFE];
	[sflag:s23] =	ssyncadd.s32 $0xFFFFFFFF  }
0xa6: {  	s26 =	simm.s32 $execute0_lowered;
	[smem:$0x3FD2] =	sst s25  }
0xa7: {  	s6 =	sshll.u32 s26, $0x1;
	_ =	strace $0x80000046;
	[dreg:$0x1] =	wrdreg $0xFFFFFFFF  }
0xa8: {  	s28 =	simm.s32 $_size_execute0_lowered;
	s4 =	sadd.s32 s4, s6;
	[dreg:$0x0] =	wrdreg $0x0  }
0xa9: {  	s6 =	sshll.u32 s28, $0x1;
	[dreg:$0x2] =	wrdreg s4  }
0xaa: {  	[dreg:$0x3] =	wrdreg s6  }
0xab: {  	[dreg:$0x4] =	wrdreg $0xC0  }
0xac: {  	_ =	task [dreg:s8], $0x5FFFF  }
0xad: {  	[dreg:$0x1] =	wrdreg $0xFFFFFFFF  }
0xae: {  	[dreg:$0x0] =	wrdreg $0x60  }
0xaf: {  	[dreg:$0x2] =	wrdreg s2  }
0xb0: {  	[dreg:$0x3] =	wrdreg s18  }
0xb1: {  	[dreg:$0x4] =	wrdreg s24  }
0xb2: {  	[dreg:$0x5] =	wrdreg $0xB9800  }
0xb3: {  	[dreg:$0x6] =	wrdreg $0x9  }
0xb4: {  	_ =	task.clear_ibuf [dreg:s8], $0x7FFFF;
	_ =	strace $0x90000046  }
0xb5: {  	s29 =	simm.s32 $0x9;
	_ =	strace $0x80000048  }
0xb6: {  	_ =	swait.ge [sflag:s29], $0x1  }
0xb7: {  	[sflag:s29] =	ssyncadd.s32 $0xFFFFFFFF  }
0xb8: {  	_ =	strace $0x90000048  }
0xb9: {  	_ =	sfence  }
0xba: {  	s30 =	sld [smem:$0x0];
	_ =	sdelay $0x2  }
0xbb: {  	s31 =	sshll.u32 s1, $0xD;
	s1 =	sshrl.u32 s1, $0x2  }
0xbc: {  	s3 =	sand.u32 $0x4000, s31;
	s1 =	sadd.s32 s1, s30  }
0xbd: {  	s0 =	sor.u32 s3, s0;
	s1 =	sshll.u32 s1, $0x11  }
0xbe: {  	s0 =	sor.u32 s1, s0  }
0xbf: {  	s0 =	sadd.s32 $0x8F2B, s0  }
0xc0: {  	[sflag:s0] =	ssyncadd.remote.s32 $0x1  }
0xc1: {  	_ =	sfence.sel $0xFFFF  }
0xc2: {  	[dreg:$0x0] =	wrdreg $0xFFFFFFFF;
	(pc) =	sbr.abs _section_cstart, $3  }
0xc3: {  	[dreg:$0x1] =	wrdreg $0xFFFFFFFF  }
0xc4: {  	_ =	task.clear_ibuf [dreg:s8], $0x2FFFF;
	_ =	strace $0x9FFFFFFF  }
0xc5: {  	(tm) =	ssettm $0x7FFFFFFF  }
tec
execute0_lowered:
.L_overlay_start_1:
0x0: {  	(tag) =	ssettag $0x1  }
0x1: {  	s1 =	rddreg [dreg:$0x0]  }
0x2: {  	s0 =	rddreg [dreg:$0x1];
	s2 =	srdreg.scid  }
0x3: {  	s12 =	stileid.u32;
	s5 =	rddreg [dreg:$0x2]  }
0x4: {  	s3 =	rddreg [dreg:$0x3];
	s4 =	simm.s32 $0x0;
	s28 =	simm.s32 $0x4080  }
0x5: {  	s29 =	simm.s32 $0x9180;
	s30 =	simm.s32 $0x1;
	s31 =	simm.s32 $0x4  }
0x6: {  	s2 =	sand.u32 $0x1, s2;
	s6 =	smul.u32 $0x270, s12;
	s8 =	sshll.u32 s12, $0x1  }
0x7: {  	[smem:$0x7FF] =	sst s4;
	s10 =	sadd.s32 $0xC00, s5;
	s11 =	smul.u32 $0x4E000, s12  }
0x8: {  	p0 =	seq.s32 s12, $0xF;
	s22 =	smul.u32 $0x4E20, s12;
	s12 =	simm.s32 $0x0  }
0x9: {  	s7 =	smul.u32 $0x2710, s2;
	s8 =	sor.u32 s2, s8;
	s2 =	ssub.s32 $0x2, s2  }
0xa: {  	_ =	strace $0x80000047;
	s9 =	smul.u32 $0x2710, s8;
	s14 =	sshrl.u32 s2, $0x1  }
0xb: {  	s15 =	sshll.u32 s8, $0xB;
	s17 =	sshrl.u32 s11, $0x2;
	s11 =	simm.s32 $0x9  }
0xc: {  	s6 =	sadd.s32 s6, s7;
	s2 =	ssub.s32 s2, s14;
	s0 =	sadd.s32 s0, s15  }
0xd: {  	s8 =	sadd.s32 s17, s3;
	s6 =	sshll.u32 s6, $0x4;
	s9 =	sshrl.u32 s9, $0x3  }
0xe: {  	[dreg:$0x5] =	wrdreg s0;
	s19 =	sadd.s32 $0x12C00, s8;
	s0 =	sadd.s32 s7, s22  }
0xf: {  	s2 =	smax.u32 s2, $0x1;
	s22 =	simm.s32 $0x50;
	s5 =	sadd.s32 s6, s5  }
0x10: {  	s9 =	sadd.s32 s10, s9;
	s6 =	simm.s32 $0x10;
	[dreg:$0x9] =	wrdreg s19  }
0x11: {  	[dreg:$0x10] =	wrdreg s2;
	s24 =	sadd.s32 $0x4E390, s0;
	s16 =	sadd.s32 $0x9C40, s9  }
0x12: {  	s25 =	sadd.s32 $0x4E340, s0;
	s18 =	sadd.s32 $0x9C4A, s9;
	[dreg:$0x6] =	wrdreg s16  }
0x13: {  	s0 =	sadd.s32 $0x4E2F0, s0;
	s6 =	simm.s32 @!p0 $0xF;
	[dreg:$0x8] =	wrdreg s18  }
0x14: {  	s20 =	sadd.s32 $0x9C54, s9;
	s21 =	sadd.s32 $0xA10E, s9;
	[dreg:$0x7] =	wrdreg s6  }
0x15: {  	s23 =	sadd.s32 $0xA118, s9;
	s5 =	sadd.s32 $0x14600, s5;
	[dreg:$0xa] =	wrdreg s20  }
0x16: {  	s2 =	sshrl.u32 s24, $0x3;
	s26 =	sshrl.u32 s25, $0x3;
	[dreg:$0xb] =	wrdreg s21  }
0x17: {  	s0 =	sshrl.u32 s0, $0x3;
	s24 =	simm.s32 $0x4000;
	[dreg:$0xc] =	wrdreg s23  }
0x18: {  	s25 =	simm.s32 $0x2;
	s9 =	simm.s32 $0x6;
	[dreg:$0xd] =	wrdreg s5  }
0x19: {  	s5 =	simm.s32 $0x2800;
	s7 =	sadd.s32 s2, s10;
	s2 =	sadd.s32 s26, s10  }
0x1a: {  	s20 =	sadd.s32 s0, s10;
	s21 =	simm.s32 $0xA;
	s23 =	simm.s32 $0x4180  }
0x1b: {  	s26 =	simm.s32 $0x6980;
	s0 =	simm.s32 $0x4100;
	s5 =	simm.s32 @!p0 $0x2700  }
0x1c: {  	s6 =	simm.s32 $0x3;
	[dreg:$0xe] =	wrdreg s5;
	s5 =	simm.s32 $0xFFFFD800  }
0x1d: {  	s10 =	simm.s32 $0x8;
	[dreg:$0x11] =	wrdreg s2;
	s5 =	simm.s32 @!p0 $0xFFFFD900  }
0x1e: {  	v0 =	vimm.f32 $0.0e+00;
	s2 =	simm.s32 $0x5;
	[dreg:$0xf] =	wrdreg s5;
	s5 =	simm.s32 $0x7  }
.LBB2_1:
0x1f: {  	s13 =	rddreg [dreg:$0x5]  }
0x20: {  	[tilespmem:s4], [sflag:$0xA] =	stream.linear.gather [hbm4b:s13+s4], $0x3E80, $0x38;
	[tilespmem:$0x1F200] =	vst v63  }
0x21: {  	_ =	swait.ge [sflag:s21], $0x3E80  }
0x22: {  	[sflag:s21] =	ssyncset.done $0x0  }
0x23: {  	[sflag:s21] =	ssyncadd.s32 $0xFFFFC180  }
0x24: {  	[tilespmem:s23], [sflag:$0x1] =	stream.indirect.gather [hbm4b:s1+s22], $0x80, s4, s22, $0xb8;
	[tilespmem:$0x1F200] =	vst v63  }
0x25: {  	s17 =	rddreg [dreg:$0x6]  }
0x26: {  	[tilespmem:s24], [sflag:$0x4] =	stream.linear.gather [hbm4b:s17+s4], $0x50, $0x38;
	[tilespmem:$0x1F200] =	vst v63  }
0x27: {  	s18 =	simm.s32 $0x80  }
0x28: {  	[tilespmem:s26], [sflag:$0x2] =	stream.indirect.gather [hbm4b:s1+s22], $0x80, s18, s22, $0xb8;
	[tilespmem:$0x1F200] =	vst v63  }
0x29: {  	s14 =	simm.s32 $0x200;
	s13 =	simm.s32 $0x0;
	s19 =	rddreg [dreg:$0x8]  }
0x2a: {  	[tilespmem:s28], [sflag:$0x5] =	stream.linear.gather [hbm4b:s19+s4], $0x50, $0x38;
	[tilespmem:$0x1F200] =	vst v63  }
.LBB2_2:
0x2b: {  	p1 =	sne.s32 s14, $0x4E00;
	[tilespmem:s13+$0x91F0] =	vst v0  }
0x2c: {  	[tilespmem:s13+$0x9180] =	vst v0  }
0x2d: {  	[tilespmem:s13+$0x9190] =	vst v0  }
.Ltmp0:
0x2e: {  	[tilespmem:s13+$0x91A0] =	vst v0;
	(pc) =	sbr.rel @p1 .LBB2_2-.Ltmp0, $4  }
0x2f: {  	[tilespmem:s13+$0x91B0] =	vst v0  }
0x30: {  	[tilespmem:s13+$0x91C0] =	vst v0  }
0x31: {  	[tilespmem:s13+$0x91D0] =	vst v0  }
0x32: {  	[tilespmem:s13+$0x91E0] =	vst v0;
	s13 =	sshra.s32 s14, $0x2;
	s14 =	sadd.s32 $0x200, s14  }
0x33: {  	[tilespmem:s13+$0x91F0] =	vst v0  }
0x34: {  	[tilespmem:s13+$0x9180] =	vst v0  }
0x35: {  	[tilespmem:s13+$0x9190] =	vst v0  }
0x36: {  	[tilespmem:s13+$0x91A0] =	vst v0  }
0x37: {  	[tilespmem:s13+$0x91B0] =	vst v0;
	s19 =	rddreg [dreg:$0x7]  }
0x38: {  	[tilespmem:s13+$0x91C0] =	vst v0;
	p1 =	sne.s32 s19, $0x1  }
.Ltmp1:
0x39: {  	[tilespmem:s13+$0x91D0] =	vst v0;
	(pc) =	sbr.rel @!p1 .LBB2_5-.Ltmp1, $4  }
0x3a: {  	[tilespmem:s13+$0x91E0] =	vst v0  }
0x3b: {  	[spmem:s8] =	stream.linear.scatter [tilespmem:s29], [sflag:$0xA], $0x1400, $0x38;
	[tilespmem:$0x1F200] =	vst v63  }
0x3c: {  	_ =	swait.ge [sflag:s21], $0x1400  }
0x3d: {  	s14 =	smov.u32 s8;
	s13 =	sadd.s32 $0xFFFFFFFF, s19;
	[sflag:s21] =	ssyncset.done $0x0  }
.LBB2_4:
0x3e: {  	p1 =	sne.s32 s13, $0x1;
	[sflag:s21] =	ssyncadd.s32 $0xFFFFEC00;
	s14 =	sadd.s32 $0x1400, s14  }
.Ltmp2:
0x3f: {  	s13 =	sadd.s32 $0xFFFFFFFF, s13;
	(pc) =	sbr.rel @p1 .LBB2_4-.Ltmp2, $4  }
0x40: {  	_ = 	snop  }
0x41: {  	[spmem:s14] =	stream.linear.scatter [tilespmem:s29], [sflag:$0xA], $0x1400, $0x38;
	[tilespmem:$0x1F200] =	vst v63  }
0x42: {  	_ =	swait.ge [sflag:s21], $0x1400  }
0x43: {  	[sflag:s21] =	ssyncset.done $0x0  }
.LBB2_5:
0x44: {  	[sflag:s21] =	ssyncadd.s32 $0xFFFFEC00;
	s13 =	simm.s32 @!p0 $0x9180;
	s14 =	rddreg [dreg:$0x9]  }
0x45: {  	[spmem:s14] =	stream.linear.scatter @!p0 [tilespmem:s13], [sflag:$0xA], $0xC00, $0x38;
	[tilespmem:$0x1F200] =	vst v63  }
0x46: {  	s13 =	simm.s32 @!p0 $0xA  }
0x47: {  	_ =	swait.ge @!p0 [sflag:s13], $0xC00  }
0x48: {  	[sflag:s13] =	ssyncset.done @!p0 $0x0  }
0x49: {  	[sflag:s13] =	ssyncadd.s32 @!p0 $0xFFFFF400  }
0x4a: {  	[bflag:$0x0] =	sbarrier.arrive $0xFFFF  }
0x4b: {  	_ =	swait.ge [sflag:s30], $0x2800  }
0x4c: {  	[sflag:s30] =	ssyncset.done $0x0  }
0x4d: {  	[sflag:s30] =	ssyncadd.s32 $0xFFFFD800  }
0x4e: {  	_ =	swait.ge [sflag:s31], $0x50  }
0x4f: {  	[sflag:s31] =	ssyncset.done $0x0  }
0x50: {  	[sflag:s31] =	ssyncadd.s32 $0xFFFFFFB0  }
0x51: {  	[spmem:s3] =	stream.indirect.scatter.add.f32 [tilespmem:s23], [sflag:$0x7], $0x80, s24, s22, $0xb8;
	[tilespmem:$0x1F200] =	vst v63  }
0x52: {  	s14 =	simm.s32 $0x100  }
0x53: {  	[tilespmem:s29], [sflag:$0x3] =	stream.indirect.gather [hbm4b:s1+s22], $0x80, s14, s22, $0xb8;
	[tilespmem:$0x1F200] =	vst v63  }
0x54: {  	s15 =	simm.s32 $0x0;
	s16 =	rddreg [dreg:$0xa]  }
0x55: {  	[tilespmem:s0], [sflag:$0x6] =	stream.linear.gather [hbm4b:s16+s15], $0x50, $0x38;
	[tilespmem:$0x1F200] =	vst v63  }
0x56: {  	_ =	swait.ge [sflag:s25], $0x2800  }
0x57: {  	[sflag:s25] =	ssyncset.done $0x0  }
0x58: {  	[sflag:s25] =	ssyncadd.s32 $0xFFFFD800  }
0x59: {  	_ =	swait.ge [sflag:s2], $0x50  }
0x5a: {  	[sflag:s2] =	ssyncset.done $0x0  }
0x5b: {  	[sflag:s2] =	ssyncadd.s32 $0xFFFFFFB0  }
0x5c: {  	[spmem:s3] =	stream.indirect.scatter.add.f32 [tilespmem:s26], [sflag:$0x8], $0x80, s28, s22, $0xb8;
	[tilespmem:$0x1F200] =	vst v63  }
0x5d: {  	_ =	swait.ge [sflag:s5], $0x2800  }
0x5e: {  	[sflag:s5] =	ssyncset.done $0x0  }
0x5f: {  	s17 =	simm.s32 $0x180;
	[sflag:s5] =	ssyncadd.s32 $0xFFFFD800  }
0x60: {  	[tilespmem:s23], [sflag:$0x1] =	stream.indirect.gather [hbm4b:s1+s22], $0x80, s17, s22, $0xb8;
	[tilespmem:$0x1F200] =	vst v63  }
0x61: {  	_ = 	snop  }
0x62: {  	[tilespmem:s24], [sflag:$0x4] =	stream.linear.gather [hbm4b:s20+s4], $0x50, $0x38;
	[tilespmem:$0x1F200] =	vst v63  }
0x63: {  	_ =	swait.ge [sflag:s6], $0x2800  }
0x64: {  	[sflag:s6] =	ssyncset.done $0x0  }
0x65: {  	[sflag:s6] =	ssyncadd.s32 $0xFFFFD800  }
0x66: {  	_ =	swait.ge [sflag:s9], $0x50  }
0x67: {  	[sflag:s9] =	ssyncset.done $0x0  }
0x68: {  	[sflag:s9] =	ssyncadd.s32 $0xFFFFFFB0  }
0x69: {  	[spmem:s3] =	stream.indirect.scatter.add.f32 [tilespmem:s29], [sflag:$0x9], $0x80, s0, s22, $0xb8;
	[tilespmem:$0x1F200] =	vst v63  }
0x6a: {  	_ =	swait.ge [sflag:s10], $0x2800  }
0x6b: {  	[sflag:s10] =	ssyncset.done $0x0  }
0x6c: {  	s18 =	simm.s32 $0x200;
	[sflag:s10] =	ssyncadd.s32 $0xFFFFD800  }
0x6d: {  	[tilespmem:s26], [sflag:$0x2] =	stream.indirect.gather [hbm4b:s1+s22], $0x80, s18, s22, $0xb8;
	[tilespmem:$0x1F200] =	vst v63  }
0x6e: {  	s15 =	rddreg [dreg:$0x11]  }
0x6f: {  	[tilespmem:s28], [sflag:$0x5] =	stream.linear.gather [hbm4b:s15+s4], $0x50, $0x38;
	[tilespmem:$0x1F200] =	vst v63  }
0x70: {  	_ =	swait.ge [sflag:s30], $0x2800  }
0x71: {  	[sflag:s30] =	ssyncset.done $0x0  }
0x72: {  	[sflag:s30] =	ssyncadd.s32 $0xFFFFD800  }
0x73: {  	_ =	swait.ge [sflag:s31], $0x50  }
0x74: {  	[sflag:s31] =	ssyncset.done $0x0  }
0x75: {  	[sflag:s31] =	ssyncadd.s32 $0xFFFFFFB0  }
0x76: {  	[spmem:s3] =	stream.indirect.scatter.add.f32 [tilespmem:s23], [sflag:$0x7], $0x80, s24, s22, $0xb8;
	[tilespmem:$0x1F200] =	vst v63  }
0x77: {  	s19 =	simm.s32 $0x280;
	s13 =	simm.s32 $0x600;
	_ =	swait.ge [sflag:s11], $0x2800  }
0x78: {  	s14 =	sadd.s32 $0x1E, s7;
	s16 =	sadd.s32 $0x1E, s20;
	[sflag:s11] =	ssyncset.done $0x0  }
0x79: {  	s17 =	sadd.s32 $0x1E, s15;
	s18 =	smov.u32 s7;
	[sflag:s11] =	ssyncadd.s32 $0xFFFFD800  }
0x7a: {  	[tilespmem:s29], [sflag:$0x3] =	stream.indirect.gather [hbm4b:s1+s22], $0x80, s19, s22, $0xb8;
	[tilespmem:$0x1F200] =	vst v63  }
.LBB2_6:
0x7b: {  	[tilespmem:s0], [sflag:$0x6] =	stream.linear.gather [hbm4b:s18+s4], $0x50, $0x38;
	[tilespmem:$0x1F200] =	vst v63  }
0x7c: {  	s15 =	smov.u32 s13;
	s18 =	smov.u32 s14  }
0x7d: {  	p1 =	sne.s32 s13, $0xEA00;
	s13 =	sadd.s32 $0x600, s13;
	_ =	swait.ge [sflag:s25], $0x2800  }
0x7e: {  	[sflag:s25] =	ssyncset.done $0x0  }
0x7f: {  	[sflag:s25] =	ssyncadd.s32 $0xFFFFD800  }
0x80: {  	_ =	swait.ge [sflag:s2], $0x50  }
0x81: {  	[sflag:s2] =	ssyncset.done $0x0  }
0x82: {  	[sflag:s2] =	ssyncadd.s32 $0xFFFFFFB0  }
0x83: {  	[spmem:s3] =	stream.indirect.scatter.add.f32 [tilespmem:s26], [sflag:$0x8], $0x80, s28, s22, $0xb8;
	[tilespmem:$0x1F200] =	vst v63  }
0x84: {  	_ =	swait.ge [sflag:s5], $0x2800  }
0x85: {  	s15 =	sshra.s32 s15, $0x2;
	[sflag:s5] =	ssyncset.done $0x0  }
0x86: {  	s19 =	sadd.s32 $0x180, s15;
	[sflag:s5] =	ssyncadd.s32 $0xFFFFD800  }
0x87: {  	[tilespmem:s23], [sflag:$0x1] =	stream.indirect.gather [hbm4b:s1+s22], $0x80, s19, s22, $0xb8;
	[tilespmem:$0x1F200] =	vst v63  }
0x88: {  	_ = 	snop  }
0x89: {  	[tilespmem:s24], [sflag:$0x4] =	stream.linear.gather [hbm4b:s16+s4], $0x50, $0x38;
	[tilespmem:$0x1F200] =	vst v63  }
0x8a: {  	_ =	swait.ge [sflag:s6], $0x2800  }
0x8b: {  	[sflag:s6] =	ssyncset.done $0x0  }
0x8c: {  	[sflag:s6] =	ssyncadd.s32 $0xFFFFD800  }
0x8d: {  	_ =	swait.ge [sflag:s9], $0x50  }
0x8e: {  	[sflag:s9] =	ssyncset.done $0x0  }
0x8f: {  	[sflag:s9] =	ssyncadd.s32 $0xFFFFFFB0  }
0x90: {  	[spmem:s3] =	stream.indirect.scatter.add.f32 [tilespmem:s29], [sflag:$0x9], $0x80, s0, s22, $0xb8;
	[tilespmem:$0x1F200] =	vst v63  }
0x91: {  	_ =	swait.ge [sflag:s10], $0x2800  }
0x92: {  	[sflag:s10] =	ssyncset.done $0x0  }
0x93: {  	s19 =	sadd.s32 $0x200, s15;
	[sflag:s10] =	ssyncadd.s32 $0xFFFFD800  }
0x94: {  	[tilespmem:s26], [sflag:$0x2] =	stream.indirect.gather [hbm4b:s1+s22], $0x80, s19, s22, $0xb8;
	[tilespmem:$0x1F200] =	vst v63  }
0x95: {  	_ = 	snop  }
0x96: {  	[tilespmem:s28], [sflag:$0x5] =	stream.linear.gather [hbm4b:s17+s4], $0x50, $0x38;
	[tilespmem:$0x1F200] =	vst v63  }
0x97: {  	_ =	swait.ge [sflag:s30], $0x2800  }
0x98: {  	[sflag:s30] =	ssyncset.done $0x0  }
0x99: {  	[sflag:s30] =	ssyncadd.s32 $0xFFFFD800  }
0x9a: {  	_ =	swait.ge [sflag:s31], $0x50  }
0x9b: {  	[sflag:s31] =	ssyncset.done $0x0  }
0x9c: {  	[sflag:s31] =	ssyncadd.s32 $0xFFFFFFB0  }
0x9d: {  	[spmem:s3] =	stream.indirect.scatter.add.f32 [tilespmem:s23], [sflag:$0x7], $0x80, s24, s22, $0xb8;
	[tilespmem:$0x1F200] =	vst v63  }
.Ltmp3:
0x9e: {  	_ =	swait.ge [sflag:s11], $0x2800;
	(pc) =	sbr.rel @p1 .LBB2_6-.Ltmp3, $4  }
0x9f: {  	[sflag:s11] =	ssyncset.done $0x0  }
0xa0: {  	s15 =	sadd.s32 $0x280, s15;
	[sflag:s11] =	ssyncadd.s32 $0xFFFFD800  }
0xa1: {  	[tilespmem:s29], [sflag:$0x3] =	stream.indirect.gather [hbm4b:s1+s22], $0x80, s15, s22, $0xb8;
	[tilespmem:$0x1F200] =	vst v63  }
0xa2: {  	s14 =	sadd.s32 $0x1E, s14;
	s16 =	sadd.s32 $0x1E, s16;
	s17 =	sadd.s32 $0x1E, s17  }
0xa3: {  	[tilespmem:s0], [sflag:$0x6] =	stream.linear.gather [hbm4b:s18+s4], $0x50, $0x38;
	[tilespmem:$0x1F200] =	vst v63  }
0xa4: {  	_ =	swait.ge [sflag:s25], $0x2800  }
0xa5: {  	[sflag:s25] =	ssyncset.done $0x0  }
0xa6: {  	[sflag:s25] =	ssyncadd.s32 $0xFFFFD800  }
0xa7: {  	_ =	swait.ge [sflag:s2], $0x50  }
0xa8: {  	[sflag:s2] =	ssyncset.done $0x0  }
0xa9: {  	[sflag:s2] =	ssyncadd.s32 $0xFFFFFFB0  }
0xaa: {  	[spmem:s3] =	stream.indirect.scatter.add.f32 [tilespmem:s26], [sflag:$0x8], $0x80, s28, s22, $0xb8;
	[tilespmem:$0x1F200] =	vst v63  }
0xab: {  	_ =	swait.ge [sflag:s5], $0x2800  }
0xac: {  	[sflag:s5] =	ssyncset.done $0x0  }
0xad: {  	s13 =	simm.s32 $0x3D80;
	[sflag:s5] =	ssyncadd.s32 $0xFFFFD800  }
0xae: {  	[tilespmem:s23], [sflag:$0x1] =	stream.indirect.gather [hbm4b:s1+s22], $0x80, s13, s22, $0xb8;
	[tilespmem:$0x1F200] =	vst v63  }
0xaf: {  	s14 =	rddreg [dreg:$0xb]  }
0xb0: {  	[tilespmem:s24], [sflag:$0x4] =	stream.linear.gather [hbm4b:s14+s4], $0x50, $0x38;
	[tilespmem:$0x1F200] =	vst v63  }
0xb1: {  	_ =	swait.ge [sflag:s6], $0x2800  }
0xb2: {  	[sflag:s6] =	ssyncset.done $0x0  }
0xb3: {  	[sflag:s6] =	ssyncadd.s32 $0xFFFFD800  }
0xb4: {  	_ =	swait.ge [sflag:s9], $0x50  }
0xb5: {  	[sflag:s9] =	ssyncset.done $0x0  }
0xb6: {  	[sflag:s9] =	ssyncadd.s32 $0xFFFFFFB0  }
0xb7: {  	[spmem:s3] =	stream.indirect.scatter.add.f32 [tilespmem:s29], [sflag:$0x9], $0x80, s0, s22, $0xb8;
	[tilespmem:$0x1F200] =	vst v63  }
0xb8: {  	_ =	swait.ge [sflag:s10], $0x2800  }
0xb9: {  	[sflag:s10] =	ssyncset.done $0x0  }
0xba: {  	s15 =	simm.s32 $0x3E00;
	[sflag:s10] =	ssyncadd.s32 $0xFFFFD800  }
0xbb: {  	[tilespmem:s26], [sflag:$0x2] =	stream.indirect.gather [hbm4b:s1+s22], $0x80, s15, s22, $0xb8;
	[tilespmem:$0x1F200] =	vst v63  }
0xbc: {  	s16 =	rddreg [dreg:$0xc]  }
0xbd: {  	[tilespmem:s28], [sflag:$0x5] =	stream.linear.gather [hbm4b:s16+s4], $0x50, $0x38;
	[tilespmem:$0x1F200] =	vst v63  }
0xbe: {  	_ =	swait.ge [sflag:s30], $0x2800  }
0xbf: {  	[sflag:s30] =	ssyncset.done $0x0  }
0xc0: {  	[sflag:s30] =	ssyncadd.s32 $0xFFFFD800  }
0xc1: {  	_ =	swait.ge [sflag:s31], $0x50  }
0xc2: {  	[sflag:s31] =	ssyncset.done $0x0  }
0xc3: {  	[sflag:s31] =	ssyncadd.s32 $0xFFFFFFB0  }
0xc4: {  	[spmem:s3] =	stream.indirect.scatter.add.f32 [tilespmem:s23], [sflag:$0x7], $0x80, s24, s22, $0xb8;
	[tilespmem:$0x1F200] =	vst v63  }
0xc5: {  	_ =	swait.ge [sflag:s11], $0x2800  }
0xc6: {  	[sflag:s11] =	ssyncset.done $0x0  }
0xc7: {  	[sflag:s11] =	ssyncadd.s32 $0xFFFFD800  }
0xc8: {  	_ =	swait.ge [sflag:s25], $0x2800  }
0xc9: {  	[sflag:s25] =	ssyncset.done $0x0  }
0xca: {  	[sflag:s25] =	ssyncadd.s32 $0xFFFFD800  }
0xcb: {  	_ =	swait.ge [sflag:s2], $0x50  }
0xcc: {  	[sflag:s2] =	ssyncset.done $0x0  }
0xcd: {  	[sflag:s2] =	ssyncadd.s32 $0xFFFFFFB0  }
0xce: {  	[spmem:s3] =	stream.indirect.scatter.add.f32 [tilespmem:s26], [sflag:$0x8], $0x80, s28, s22, $0xb8;
	[tilespmem:$0x1F200] =	vst v63  }
0xcf: {  	_ =	swait.ge [sflag:s5], $0x2800  }
0xd0: {  	[sflag:s5] =	ssyncset.done $0x0  }
0xd1: {  	[sflag:s5] =	ssyncadd.s32 $0xFFFFD800  }
0xd2: {  	_ =	swait.ge [sflag:s10], $0x2800  }
0xd3: {  	[sflag:s10] =	ssyncset.done $0x0  }
0xd4: {  	[sflag:s10] =	ssyncadd.s32 $0xFFFFD800  }
0xd5: {  	s17 =	stileid.u32;
	[bflag:$0x0] =	sbarrier.arrive $0xFFFF  }
0xd6: {  	s13 =	sshll.u32 s17, $0x6;
	s15 =	rddreg [dreg:$0xd]  }
0xd7: {  	s13 =	sor.u32 $0x1C0A, s13;
	s14 =	sshrl.u32 s8, $0x3;
	s16 =	rddreg [dreg:$0xe]  }
0xd8: {  	[hbm:s15], [sflag:s13] =	dma.local [spmem:s14], s16  }
0xd9: {  	_ =	swait.ge [sflag:s21], s16  }
0xda: {  	s12 =	sadd.s32 $0x1, s12;
	s18 =	rddreg [dreg:$0x10]  }
0xdb: {  	p1 =	sne.s32 s12, s18  }
.Ltmp4:
0xdc: {  	_ = 	snop;
	(pc) =	sbr.rel @p1 .LBB2_1-.Ltmp4, $3  }
0xdd: {  	_ =	sdelay $0x1  }
0xde: {  	[sflag:s21] =	ssyncset.done $0x0;
	s19 =	rddreg [dreg:$0xf]  }
0xdf: {  	[sflag:s21] =	ssyncadd.s32 s19  }
0xe0: {  	_ =	sfence.sel $0x180000  }
0xe1: {  	[bflag:$0x0] =	sbarrier.arrive $0xFFFF  }
0xe2: {  	_ =	strace $0x90000047  }
0xe3: {  	s0 =	stileid.u32;
	[bflag:$0x2] =	sbarrier.arrive $0xFFFF  }
0xe4: {  	p0 =	sne.s32 s0, $0x0;
	s0 =	rddreg [dreg:$0x4]  }
0xe5: {  	s0 =	sadd.s32 @!p0 $0x100000, s0  }
0xe6: {  	[sflag:s0] =	ssyncadd.tile.s32 @!p0 $0x1;
	_ =	shalt  }
.Lfunc_end2:
_tile_overlayer_lowered:
.L_overlay_start_2:
0xe7: {  	(tag) =	ssettag $0x2  }
0xe8: {  	s0 =	rddreg [dreg:$0x0];
	s2 =	stileid.u32  }
0xe9: {  	s1 =	rddreg [dreg:$0x1];
	p0 =	sne.s32 s2, $0x0  }
0xea: {  	s3 =	rddreg [dreg:$0x2];
	[bflag:$0x3] =	sbarrier.arrive $0xFFFF;
	s2 =	simm.s32 @!p0 $0x1C0A  }
0xeb: {  	[timem:s3], [sflag:s2] =	dma.local @!p0 [hbm:s0], s1  }
0xec: {  	s0 =	simm.s32 @!p0 $0xA  }
0xed: {  	_ =	swait.ge @!p0 [sflag:s0], s1  }
0xee: {  	s1 =	ssub.s32 @!p0 $0x0, s1;
	[sflag:s0] =	ssyncset.done @!p0 $0x0  }
0xef: {  	[sflag:s0] =	ssyncadd.s32 @!p0 s1  }
0xf0: {  	[bflag:$0x3] =	sbarrier.arrive $0xFFFF  }
0xf1: {  	_ =	shalt  }

</sc_bundles>
